<compile_context>
chip_gen: v7x
topology: tpu7x:2x2x1
jax: 0.10.2.dev20260603
libtpu: 0.0.44.dev20260713+nightly
codegen_flags: <defaults>
</compile_context>

<pallas_src>
import functools

import jax
import jax.numpy as jnp
from jax import lax
from jax.experimental import pallas as pl
from jax.experimental.pallas import tpu as pltpu
from jax.experimental.pallas import tpu_sc as plsc

_PENALTY = 10.0

_L = 16
_NC = 2
_NS = 16
_NW = _NC * _NS
_B, _T, _N = 8, 2048, 128
_TC = 4
_CT = _T // _TC
_NGRP = _N // _L
_UNROLL = 4


_BIGT = 1.0e6
_SUB = 8
_SUBT = _CT // _SUB
_GPL = 4


def _sc_scan_body(x_hbm, out_hbm, buf, stage, sem):
    wid = lax.axis_index("s") * _NC + lax.axis_index("c")
    b = wid // _TC
    tc = wid % _TC
    t_base = tc * _CT

    zeros = jnp.zeros((_L,), jnp.float32)
    ones = jnp.full((_L,), 1.0, jnp.float32)
    neg1 = jnp.full((_L,), -1.0, jnp.float32)
    bigv = jnp.full((_L,), _BIGT, jnp.float32)
    t0f = t_base.astype(jnp.float32)
    tfv0 = ones * t0f

    def step(v, tfv, c, fi, s2, p):
        m = v > 0.0
        mf = jnp.where(m, ones, zeros)
        gap = tfv - p
        c = c + mf
        s2 = s2 + (gap * gap) * mf
        fi = jnp.minimum(fi, jnp.where(m, tfv, bigv))
        p = jnp.where(m, tfv, p)
        return c, fi, s2, p

    def chunk_src(s):
        return x_hbm.at[b, pl.ds(t_base + s * _SUBT, _SUBT), :]

    pltpu.async_copy(chunk_src(0), buf.at[0], sem)

    init = (tfv0,) + (zeros, bigv, zeros, neg1) * _NGRP

    def chunk_body(s, carry):
        slot = lax.rem(s, 2)

        @pl.when(s + 1 < _SUB)
        def _():
            pltpu.async_copy(chunk_src(s + 1), buf.at[lax.rem(s + 1, 2)],
                             sem)

        pltpu.make_async_copy(chunk_src(s), buf.at[slot], sem).wait()

        tfv_in = carry[0]
        out = [None] * len(carry)
        for half in range(_NGRP // _GPL):
            g_base = half * _GPL

            def body(i, hcarry, g_base=g_base, slot=slot):
                tfv = hcarry[0]
                accs = list(hcarry[1:])
                for u in range(_UNROLL):
                    t = i * _UNROLL + u
                    for g in range(_GPL):
                        v = buf[slot, t, pl.ds((g_base + g) * _L, _L)]
                        a = accs[4 * g: 4 * g + 4]
                        accs[4 * g: 4 * g + 4] = list(
                            step(v, tfv, *a))
                    tfv = tfv + ones
                return (tfv,) + tuple(accs)

            lo = 1 + 4 * g_base
            hi = lo + 4 * _GPL
            hinit = (tfv_in,) + tuple(carry[lo:hi])
            hres = lax.fori_loop(0, _SUBT // _UNROLL, body, hinit)
            out[lo:hi] = list(hres[1:])
            out[0] = hres[0]
        return tuple(out)

    res = lax.fori_loop(0, _SUB, chunk_body, init)

    accs = res[1:]
    for g in range(_NGRP):
        c, fi, s2, p = accs[4 * g: 4 * g + 4]
        fic = fi + ones
        s2 = s2 - jnp.where(c > 0.0, fic * fic, zeros)
        col = g * _L
        stage[0, pl.ds(col, _L)] = c
        stage[1, pl.ds(col, _L)] = fi
        stage[2, pl.ds(col, _L)] = p
        stage[3, pl.ds(col, _L)] = s2

    pltpu.sync_copy(stage, out_hbm.at[wid])


def _tc_finalize_body(stats_ref, tgt_ref, out_ref):
    cnt = stats_ref[:, 0, 0]
    fi = stats_ref[:, 0, 1]
    la = stats_ref[:, 0, 2]
    s2 = stats_ref[:, 0, 3]
    for c in range(1, _TC):
        cnt_c = stats_ref[:, c, 0]
        fi_c = stats_ref[:, c, 1]
        la_c = stats_ref[:, c, 2]
        s2_c = stats_ref[:, c, 3]
        a_has = cnt > 0.0
        c_has = cnt_c > 0.0
        bridge = fi_c - la
        s2_both = s2 + s2_c + bridge * bridge
        s2 = jnp.where(
            jnp.logical_and(a_has, c_has), s2_both,
            jnp.where(a_has, s2, s2_c))
        fi = jnp.where(a_has, fi, fi_c)
        la = jnp.where(c_has, la_c, la)
        cnt = cnt + cnt_c

    s1 = la - fi
    n_isi = jnp.maximum(cnt - 1.0, 1.0)
    mean = s1 / n_isi
    nv = jnp.maximum(cnt - 1.0, 0.0)
    var_num = jnp.maximum(s2 - 2.0 * mean * s1 + nv * mean * mean, 0.0)
    var = var_num / jnp.maximum(cnt - 2.0, 1.0)
    std = jnp.sqrt(var)
    cv = jnp.where(mean > 0.0, std / jnp.maximum(mean, 1e-30), _PENALTY)
    cvs = jnp.where(cnt >= 3.0, cv, _PENALTY)
    d = cvs - tgt_ref[0][None, :]
    tot = jnp.sum(jnp.sum(d * d, axis=1, keepdims=True), axis=0, keepdims=True)
    out_ref[...] = tot * (1.0 / (_B * _N))


@jax.jit
def kernel(output_spikes, target_cv):
    stats = pl.kernel(
        _sc_scan_body,
        out_type=jax.ShapeDtypeStruct((_NW, 4, _N), jnp.float32),
        mesh=plsc.VectorSubcoreMesh(
            core_axis_name="c", subcore_axis_name="s",
            num_cores=_NC, num_subcores=_NS,
        ),
        scratch_types=[
            pltpu.VMEM((2, _SUBT, _N), jnp.float32),
            pltpu.VMEM((4, _N), jnp.float32),
            pltpu.SemaphoreType.DMA,
        ],
    )(output_spikes)
    stats = stats.reshape(_B, _TC, 4, _N)
    tgt = target_cv[None, :]
    loss = pl.pallas_call(
        _tc_finalize_body,
        out_shape=jax.ShapeDtypeStruct((1, 1), jnp.float32),
    )(stats, tgt)
    return loss[0, 0]

# --- scband reference (transcript-rebuilt; emitter-appended) ---
"""Pipeline reference for scband-cvloss-80376017977765 (READ-ONLY COPY).

The authoritative reference and input builder live on the scoring server;
editing this copy changes nothing except your own understanding.
"""

import jax, jax.numpy as jnp
import numpy as np

PENALTY = 10.0

def setup_inputs(seed: int = 0) -> dict:
    key = jax.random.key(seed)
    output_spikes = jax.random.normal(jax.random.fold_in(key, 1), (8, 2048, 128), dtype=jnp.float32)
    target_cv = jnp.ones((128,), dtype=jnp.float32)
    return {"output_spikes": output_spikes, "target_cv": target_cv}

def _cv_loss(spikes, target_cv):
    B, T, N = spikes.shape
    mask = spikes > 0
    t_idx = jnp.arange(T, dtype=jnp.float32)[None, :, None]
    sentinel = jnp.float32(10 * T)
    times = jnp.where(mask, t_idx, sentinel)
    times_sorted = jnp.sort(times, axis=1)  # valid spike times first, ascending
    count = jnp.sum(mask, axis=1).astype(jnp.float32)  # [B, N]
    diffs = times_sorted[:, 1:, :] - times_sorted[:, :-1, :]  # [B, T-1, N]
    i_idx = jnp.arange(T - 1, dtype=jnp.float32)[None, :, None]
    valid = i_idx < (count[:, None, :] - 1.0)  # first (count-1) diffs are true ISIs
    n_isi = jnp.maximum(count - 1.0, 1.0)
    mean_isi = jnp.sum(jnp.where(valid, diffs, 0.0), axis=1) / n_isi  # [B, N]
    dev = jnp.where(valid, diffs - mean_isi[:, None, :], 0.0)
    denom = jnp.maximum(count - 2.0, 1.0)  # torch .std() is unbiased (ddof=1) over count-1 ISIs
    var = jnp.sum(dev * dev, axis=1) / denom
    std_isi = jnp.sqrt(var)
    cv = jnp.where(mean_isi > 0, std_isi / jnp.maximum(mean_isi, 1e-30), PENALTY)
    cvs = jnp.where(count >= 3.0, cv, PENALTY)  # [B, N]
    target_expanded = jnp.broadcast_to(target_cv[None, :], cvs.shape)
    loss = jnp.mean((cvs - target_expanded) ** 2)
    return loss

def reference(output_spikes, target_cv):
    return _cv_loss(output_spikes, target_cv)

if __name__ == "__main__":
    import jax
    _d = setup_inputs()
    print(jax.jit(kernel)(*tuple(_d.values())))

</pallas_src>

<mosaic_0001>
#map = affine_map<(d0, d1) -> (0, 0, 0)>
module attributes {stable_mosaic.version = 14 : i64} {
  func.func @_sc_scan_body(%arg0: i32, %arg1: i32, %arg2: memref<8x2048x128xf32, #tpu.memory_space<hbm>>, %arg3: memref<32x4x128xf32, #tpu.memory_space<hbm>>, %arg4: memref<2x64x128xf32, #tpu.memory_space<vmem>>, %arg5: memref<4x128xf32, #tpu.memory_space<vmem>>, %arg6: memref<!tpu.dma_semaphore, #tpu.memory_space<semaphore_mem>>) attributes {dimension_semantics = [#tpu.dimension_semantics<core_parallel>, #tpu.dimension_semantics<subcore_parallel>], iteration_bounds = array<i64: 2, 16>, scalar_prefetch = 0 : i64, scratch_operands = 3 : i64, tpu.core_type = #tpu.core_type<sc_vector_subcore>, window_params = [{transform_indices = #map}, {transform_indices = #map}]} {
    %mul3A = arith.constant 2 : i32
    %mul3A_0 = arith.muli %arg1, %mul3A : i32
    %add3A = arith.addi %mul3A_0, %arg0 : i32
    %jit3A = arith.constant 4 : i32
    %div3A = arith.divsi %add3A, %jit3A : i32
    %sign3A = arith.constant 0 : i32
    %sign3A_1 = arith.cmpi sgt, %add3A, %sign3A : i32
    %sign3A_2 = arith.extui %sign3A_1 : i1 to i32
    %sign3A_3 = arith.constant 0 : i32
    %sign3A_4 = arith.cmpi slt, %add3A, %sign3A_3 : i32
    %sign3A_5 = arith.extui %sign3A_4 : i1 to i32
    %sign3A_6 = arith.subi %sign3A_2, %sign3A_5 : i32
    %sign3A_7 = arith.constant 0 : i32
    %sign3A_8 = arith.cmpi sgt, %jit3A, %sign3A_7 : i32
    %sign3A_9 = arith.extui %sign3A_8 : i1 to i32
    %sign3A_10 = arith.constant 0 : i32
    %sign3A_11 = arith.cmpi slt, %jit3A, %sign3A_10 : i32
    %sign3A_12 = arith.extui %sign3A_11 : i1 to i32
    %sign3A_13 = arith.subi %sign3A_9, %sign3A_12 : i32
    %ne3A = arith.cmpi ne, %sign3A_6, %sign3A_13 : i32
    %rem3A = arith.remsi %add3A, %jit3A : i32
    %ne3A_14 = arith.constant 0 : i32
    %ne3A_15 = arith.cmpi ne, %rem3A, %ne3A_14 : i32
    %and3A = arith.andi %ne3A, %ne3A_15 : i1
    %sub3A = arith.constant 1 : i32
    %sub3A_16 = arith.subi %div3A, %sub3A : i32
    %select_n3A = arith.select %and3A, %sub3A_16, %div3A : i32
    %jit3A_17 = arith.constant 4 : i32
    %eq3A = arith.constant 0 : i32
    %eq3A_18 = arith.cmpi eq, %jit3A_17, %eq3A : i32
    %jit3A_19 = arith.constant 1 : i32
    %select_n3A_20 = arith.select %eq3A_18, %jit3A_19, %jit3A_17 : i32
    %rem3A_21 = arith.remsi %add3A, %select_n3A_20 : i32
    %ne3A_22 = arith.constant 0 : i32
    %ne3A_23 = arith.cmpi ne, %rem3A_21, %ne3A_22 : i32
    %lt3A = arith.constant 0 : i32
    %lt3A_24 = arith.cmpi slt, %rem3A_21, %lt3A : i32
    %lt3A_25 = arith.constant 0 : i32
    %lt3A_26 = arith.cmpi slt, %select_n3A_20, %lt3A_25 : i32
    %ne3A_27 = arith.xori %lt3A_24, %lt3A_26 : i1
    %and3A_28 = arith.andi %ne3A_27, %ne3A_23 : i1
    %add3A_29 = arith.addi %rem3A_21, %select_n3A_20 : i32
    %select_n3A_30 = arith.select %and3A_28, %add3A_29, %rem3A_21 : i32
    %mul3A_31 = arith.constant 512 : i32
    %mul3A_32 = arith.muli %select_n3A_30, %mul3A_31 : i32
    %broadcast_in_dim3A = arith.constant 0.000000e+00 : f32
    %broadcast_in_dim3A_33 = vector.broadcast %broadcast_in_dim3A : f32 to vector<16xf32>
    %broadcast_in_dim3A_34 = arith.constant 1.000000e+00 : f32
    %broadcast_in_dim3A_35 = vector.broadcast %broadcast_in_dim3A_34 : f32 to vector<16xf32>
    %broadcast_in_dim3A_36 = arith.constant -1.000000e+00 : f32
    %broadcast_in_dim3A_37 = vector.broadcast %broadcast_in_dim3A_36 : f32 to vector<16xf32>
    %broadcast_in_dim3A_38 = arith.constant 1.000000e+06 : f32
    %broadcast_in_dim3A_39 = vector.broadcast %broadcast_in_dim3A_38 : f32 to vector<16xf32>
    %convert_element_type3A = arith.sitofp %mul3A_32 : i32 to f32
    %mul3A_40 = vector.broadcast %convert_element_type3A : f32 to vector<16xf32>
    %mul3A_41 = arith.mulf %broadcast_in_dim3A_35, %mul3A_40 : vector<16xf32>
    %add3A_42 = arith.constant 0 : i32
    %add3A_43 = arith.addi %mul3A_32, %add3A_42 : i32
    %dma_start3A = arith.constant 0 : i32
    %dma_start3A_44 = arith.constant 0 : i32
    %dma_start3A_45 = arith.constant 0 : i32
    %dma_start3A_46 = tpu.memref_slice %arg4[%dma_start3A, %dma_start3A_44, %dma_start3A_45] : memref<2x64x128xf32, #tpu.memory_space<vmem>> -> memref<1x64x128xf32, #tpu.memory_space<vmem>>
    %dma_start3A_47 = tpu.memref_squeeze %dma_start3A_46 : memref<1x64x128xf32, #tpu.memory_space<vmem>> -> memref<64x128xf32, #tpu.memory_space<vmem>>
    %dma_start3A_48 = arith.constant 0 : i32
    %dma_start3A_49 = tpu.memref_slice %arg2[%select_n3A, %add3A_43, %dma_start3A_48] : memref<8x2048x128xf32, #tpu.memory_space<hbm>> -> memref<1x64x128xf32, #tpu.memory_space<hbm>>
    %dma_start3A_50 = tpu.memref_squeeze %dma_start3A_49 : memref<1x64x128xf32, #tpu.memory_space<hbm>> -> memref<64x128xf32, #tpu.memory_space<hbm>>
    %dma_start3A_51 = arith.constant 0 : i32
    %dma_start3A_52 = arith.constant 0 : i32
    %dma_start3A_53 = tpu.memref_slice %arg4[%dma_start3A, %dma_start3A_51, %dma_start3A_52] : memref<2x64x128xf32, #tpu.memory_space<vmem>> -> memref<1x64x128xf32, #tpu.memory_space<vmem>>
    %dma_start3A_54 = tpu.memref_squeeze %dma_start3A_53 : memref<1x64x128xf32, #tpu.memory_space<vmem>> -> memref<64x128xf32, #tpu.memory_space<vmem>>
    %dma_start3A_55 = arith.constant 0 : i32
    %dma_start3A_56 = tpu.memref_slice %arg2[%select_n3A, %add3A_43, %dma_start3A_55] : memref<8x2048x128xf32, #tpu.memory_space<hbm>> -> memref<1x64x128xf32, #tpu.memory_space<hbm>>
    %dma_start3A_57 = tpu.memref_squeeze %dma_start3A_56 : memref<1x64x128xf32, #tpu.memory_space<hbm>> -> memref<64x128xf32, #tpu.memory_space<hbm>>
    tpu.enqueue_dma source(%dma_start3A_57 : memref<64x128xf32, #tpu.memory_space<hbm>>) target(%dma_start3A_54 : memref<64x128xf32, #tpu.memory_space<vmem>>) target_semaphore(%arg6 : memref<!tpu.dma_semaphore, #tpu.memory_space<semaphore_mem>>)
    %scan3A = arith.constant 0 : i32
    %scan3A_58 = arith.constant 8 : i32
    %scan3A_59 = arith.addi %scan3A, %scan3A_58 : i32
    %scan3A_60 = arith.constant 1 : i32
    %scan3A_61:33 = scf.for %scan3A_309 = %scan3A to %scan3A_59 step %scan3A_60 iter_args(%scan3A_310 = %mul3A_41, %scan3A_311 = %broadcast_in_dim3A_33, %scan3A_312 = %broadcast_in_dim3A_39, %scan3A_313 = %broadcast_in_dim3A_33, %scan3A_314 = %broadcast_in_dim3A_37, %scan3A_315 = %broadcast_in_dim3A_33, %scan3A_316 = %broadcast_in_dim3A_39, %scan3A_317 = %broadcast_in_dim3A_33, %scan3A_318 = %broadcast_in_dim3A_37, %scan3A_319 = %broadcast_in_dim3A_33, %scan3A_320 = %broadcast_in_dim3A_39, %scan3A_321 = %broadcast_in_dim3A_33, %scan3A_322 = %broadcast_in_dim3A_37, %scan3A_323 = %broadcast_in_dim3A_33, %scan3A_324 = %broadcast_in_dim3A_39, %scan3A_325 = %broadcast_in_dim3A_33, %scan3A_326 = %broadcast_in_dim3A_37, %scan3A_327 = %broadcast_in_dim3A_33, %scan3A_328 = %broadcast_in_dim3A_39, %scan3A_329 = %broadcast_in_dim3A_33, %scan3A_330 = %broadcast_in_dim3A_37, %scan3A_331 = %broadcast_in_dim3A_33, %scan3A_332 = %broadcast_in_dim3A_39, %scan3A_333 = %broadcast_in_dim3A_33, %scan3A_334 = %broadcast_in_dim3A_37, %scan3A_335 = %broadcast_in_dim3A_33, %scan3A_336 = %broadcast_in_dim3A_39, %scan3A_337 = %broadcast_in_dim3A_33, %scan3A_338 = %broadcast_in_dim3A_37, %scan3A_339 = %broadcast_in_dim3A_33, %scan3A_340 = %broadcast_in_dim3A_39, %scan3A_341 = %broadcast_in_dim3A_33, %scan3A_342 = %broadcast_in_dim3A_37) -> (vector<16xf32>, vector<16xf32>, vector<16xf32>, vector<16xf32>, vector<16xf32>, vector<16xf32>, vector<16xf32>, vector<16xf32>, vector<16xf32>, vector<16xf32>, vector<16xf32>, vector<16xf32>, vector<16xf32>, vector<16xf32>, vector<16xf32>, vector<16xf32>, vector<16xf32>, vector<16xf32>, vector<16xf32>, vector<16xf32>, vector<16xf32>, vector<16xf32>, vector<16xf32>, vector<16xf32>, vector<16xf32>, vector<16xf32>, vector<16xf32>, vector<16xf32>, vector<16xf32>, vector<16xf32>, vector<16xf32>, vector<16xf32>, vector<16xf32>)  : i32 {
      %rem3A_343 = arith.constant 2 : i32
      %rem3A_344 = arith.remsi %scan3A_309, %rem3A_343 : i32
      %add3A_345 = arith.constant 1 : i32
      %add3A_346 = arith.addi %scan3A_309, %add3A_345 : i32
      %lt3A_347 = arith.constant 8 : i32
      %lt3A_348 = arith.cmpi slt, %add3A_346, %lt3A_347 : i32
      %convert_element_type3A_349 = arith.extui %lt3A_348 : i1 to i32
      %cond3A = arith.constant 0 : i32
      %cond3A_350 = arith.cmpi ne, %convert_element_type3A_349, %cond3A : i32
      scf.if %cond3A_350 {
        %add3A_379 = arith.constant 1 : i32
        %add3A_380 = arith.addi %scan3A_309, %add3A_379 : i32
        %mul3A_381 = arith.constant 64 : i32
        %mul3A_382 = arith.muli %add3A_380, %mul3A_381 : i32
        %add3A_383 = arith.addi %mul3A_32, %mul3A_382 : i32
        %add3A_384 = arith.constant 1 : i32
        %add3A_385 = arith.addi %scan3A_309, %add3A_384 : i32
        %rem3A_386 = arith.constant 2 : i32
        %rem3A_387 = arith.remsi %add3A_385, %rem3A_386 : i32
        %dma_start3A_388 = arith.constant 0 : i32
        %dma_start3A_389 = arith.constant 0 : i32
        %dma_start3A_390 = tpu.memref_slice %arg4[%rem3A_387, %dma_start3A_388, %dma_start3A_389] : memref<2x64x128xf32, #tpu.memory_space<vmem>> -> memref<1x64x128xf32, #tpu.memory_space<vmem>>
        %dma_start3A_391 = tpu.memref_squeeze %dma_start3A_390 : memref<1x64x128xf32, #tpu.memory_space<vmem>> -> memref<64x128xf32, #tpu.memory_space<vmem>>
        %dma_start3A_392 = arith.constant 0 : i32
        %dma_start3A_393 = tpu.memref_slice %arg2[%select_n3A, %add3A_383, %dma_start3A_392] : memref<8x2048x128xf32, #tpu.memory_space<hbm>> -> memref<1x64x128xf32, #tpu.memory_space<hbm>>
        %dma_start3A_394 = tpu.memref_squeeze %dma_start3A_393 : memref<1x64x128xf32, #tpu.memory_space<hbm>> -> memref<64x128xf32, #tpu.memory_space<hbm>>
        %dma_start3A_395 = arith.constant 0 : i32
        %dma_start3A_396 = arith.constant 0 : i32
        %dma_start3A_397 = tpu.memref_slice %arg4[%rem3A_387, %dma_start3A_395, %dma_start3A_396] : memref<2x64x128xf32, #tpu.memory_space<vmem>> -> memref<1x64x128xf32, #tpu.memory_space<vmem>>
        %dma_start3A_398 = tpu.memref_squeeze %dma_start3A_397 : memref<1x64x128xf32, #tpu.memory_space<vmem>> -> memref<64x128xf32, #tpu.memory_space<vmem>>
        %dma_start3A_399 = arith.constant 0 : i32
        %dma_start3A_400 = tpu.memref_slice %arg2[%select_n3A, %add3A_383, %dma_start3A_399] : memref<8x2048x128xf32, #tpu.memory_space<hbm>> -> memref<1x64x128xf32, #tpu.memory_space<hbm>>
        %dma_start3A_401 = tpu.memref_squeeze %dma_start3A_400 : memref<1x64x128xf32, #tpu.memory_space<hbm>> -> memref<64x128xf32, #tpu.memory_space<hbm>>
        tpu.enqueue_dma source(%dma_start3A_401 : memref<64x128xf32, #tpu.memory_space<hbm>>) target(%dma_start3A_398 : memref<64x128xf32, #tpu.memory_space<vmem>>) target_semaphore(%arg6 : memref<!tpu.dma_semaphore, #tpu.memory_space<semaphore_mem>>)
      } else {
      }
      %mul3A_351 = arith.constant 64 : i32
      %mul3A_352 = arith.muli %scan3A_309, %mul3A_351 : i32
      %add3A_353 = arith.addi %mul3A_32, %mul3A_352 : i32
      %dma_wait3A = arith.constant 0 : i32
      %dma_wait3A_354 = arith.constant 0 : i32
      %dma_wait3A_355 = tpu.memref_slice %arg4[%rem3A_344, %dma_wait3A, %dma_wait3A_354] : memref<2x64x128xf32, #tpu.memory_space<vmem>> -> memref<1x64x128xf32, #tpu.memory_space<vmem>>
      %dma_wait3A_356 = tpu.memref_squeeze %dma_wait3A_355 : memref<1x64x128xf32, #tpu.memory_space<vmem>> -> memref<64x128xf32, #tpu.memory_space<vmem>>
      %dma_wait3A_357 = arith.constant 0 : i32
      %dma_wait3A_358 = tpu.memref_slice %arg2[%select_n3A, %add3A_353, %dma_wait3A_357] : memref<8x2048x128xf32, #tpu.memory_space<hbm>> -> memref<1x64x128xf32, #tpu.memory_space<hbm>>
      %dma_wait3A_359 = tpu.memref_squeeze %dma_wait3A_358 : memref<1x64x128xf32, #tpu.memory_space<hbm>> -> memref<64x128xf32, #tpu.memory_space<hbm>>
      %dma_wait3A_360 = arith.constant 0 : i32
      %dma_wait3A_361 = arith.constant 0 : i32
      %dma_wait3A_362 = tpu.memref_slice %arg4[%rem3A_344, %dma_wait3A_360, %dma_wait3A_361] : memref<2x64x128xf32, #tpu.memory_space<vmem>> -> memref<1x64x128xf32, #tpu.memory_space<vmem>>
      %dma_wait3A_363 = tpu.memref_squeeze %dma_wait3A_362 : memref<1x64x128xf32, #tpu.memory_space<vmem>> -> memref<64x128xf32, #tpu.memory_space<vmem>>
      %dma_wait3A_364 = arith.constant 0 : i32
      %dma_wait3A_365 = tpu.memref_slice %arg2[%select_n3A, %add3A_353, %dma_wait3A_364] : memref<8x2048x128xf32, #tpu.memory_space<hbm>> -> memref<1x64x128xf32, #tpu.memory_space<hbm>>
      %dma_wait3A_366 = tpu.memref_squeeze %dma_wait3A_365 : memref<1x64x128xf32, #tpu.memory_space<hbm>> -> memref<64x128xf32, #tpu.memory_space<hbm>>
      tpu.wait_dma2 semaphore(%arg6 : memref<!tpu.dma_semaphore, #tpu.memory_space<semaphore_mem>>) src(%dma_wait3A_366 : memref<64x128xf32, #tpu.memory_space<hbm>>) dst(%dma_wait3A_363 : memref<64x128xf32, #tpu.memory_space<vmem>>)
      %scan3A_367 = arith.constant 0 : i32
      %scan3A_368 = arith.constant 16 : i32
      %scan3A_369 = arith.addi %scan3A_367, %scan3A_368 : i32
      %scan3A_370 = arith.constant 1 : i32
      %scan3A_371:17 = scf.for %scan3A_379 = %scan3A_367 to %scan3A_369 step %scan3A_370 iter_args(%scan3A_380 = %scan3A_310, %scan3A_381 = %scan3A_311, %scan3A_382 = %scan3A_312, %scan3A_383 = %scan3A_313, %scan3A_384 = %scan3A_314, %scan3A_385 = %scan3A_315, %scan3A_386 = %scan3A_316, %scan3A_387 = %scan3A_317, %scan3A_388 = %scan3A_318, %scan3A_389 = %scan3A_319, %scan3A_390 = %scan3A_320, %scan3A_391 = %scan3A_321, %scan3A_392 = %scan3A_322, %scan3A_393 = %scan3A_323, %scan3A_394 = %scan3A_324, %scan3A_395 = %scan3A_325, %scan3A_396 = %scan3A_326) -> (vector<16xf32>, vector<16xf32>, vector<16xf32>, vector<16xf32>, vector<16xf32>, vector<16xf32>, vector<16xf32>, vector<16xf32>, vector<16xf32>, vector<16xf32>, vector<16xf32>, vector<16xf32>, vector<16xf32>, vector<16xf32>, vector<16xf32>, vector<16xf32>, vector<16xf32>)  : i32 {
        %mul3A_397 = arith.constant 4 : i32
        %mul3A_398 = arith.muli %scan3A_379, %mul3A_397 : i32
        %add3A_399 = arith.constant 0 : i32
        %add3A_400 = arith.addi %mul3A_398, %add3A_399 : i32
        %get3A = arith.index_cast %rem3A_344 : i32 to index
        %get3A_401 = arith.index_cast %add3A_400 : i32 to index
        %get3A_402 = arith.constant 0 : index
        %get3A_403 = tpu.vector_load %arg4[%get3A, %get3A_401, %get3A_402] {strides = array<i32>} : memref<2x64x128xf32, #tpu.memory_space<vmem>>, vector<1x1x16xf32>,
        %get3A_404 = vector.shape_cast %get3A_403 : vector<1x1x16xf32> to vector<16xf32>
        %gt3A_405 = arith.constant 0.000000e+00 : f32
        %gt3A_406 = vector.broadcast %gt3A_405 : f32 to vector<16xf32>
        %gt3A_407 = arith.cmpf ogt, %get3A_404, %gt3A_406 : vector<16xf32>
        %select_n3A_408 = arith.select %gt3A_407, %broadcast_in_dim3A_35, %broadcast_in_dim3A_33 : vector<16xi1>, vector<16xf32>
        %sub3A_409 = arith.subf %scan3A_380, %scan3A_384 : vector<16xf32>
        %add3A_410 = arith.addf %scan3A_381, %select_n3A_408 : vector<16xf32>
        %mul3A_411 = arith.mulf %sub3A_409, %sub3A_409 : vector<16xf32>
        %mul3A_412 = arith.mulf %mul3A_411, %select_n3A_408 : vector<16xf32>
        %add3A_413 = arith.addf %scan3A_383, %mul3A_412 : vector<16xf32>
        %select_n3A_414 = arith.select %gt3A_407, %scan3A_380, %broadcast_in_dim3A_39 : vector<16xi1>, vector<16xf32>
        %min3A = arith.minimumf %scan3A_382, %select_n3A_414 : vector<16xf32>
        %select_n3A_415 = arith.select %gt3A_407, %scan3A_380, %scan3A_384 : vector<16xi1>, vector<16xf32>
        %get3A_416 = arith.index_cast %rem3A_344 : i32 to index
        %get3A_417 = arith.index_cast %add3A_400 : i32 to index
        %get3A_418 = arith.constant 16 : index
        %get3A_419 = tpu.vector_load %arg4[%get3A_416, %get3A_417, %get3A_418] {strides = array<i32>} : memref<2x64x128xf32, #tpu.memory_space<vmem>>, vector<1x1x16xf32>,
        %get3A_420 = vector.shape_cast %get3A_419 : vector<1x1x16xf32> to vector<16xf32>
        %gt3A_421 = arith.constant 0.000000e+00 : f32
        %gt3A_422 = vector.broadcast %gt3A_421 : f32 to vector<16xf32>
        %gt3A_423 = arith.cmpf ogt, %get3A_420, %gt3A_422 : vector<16xf32>
        %select_n3A_424 = arith.select %gt3A_423, %broadcast_in_dim3A_35, %broadcast_in_dim3A_33 : vector<16xi1>, vector<16xf32>
        %sub3A_425 = arith.subf %scan3A_380, %scan3A_388 : vector<16xf32>
        %add3A_426 = arith.addf %scan3A_385, %select_n3A_424 : vector<16xf32>
        %mul3A_427 = arith.mulf %sub3A_425, %sub3A_425 : vector<16xf32>
        %mul3A_428 = arith.mulf %mul3A_427, %select_n3A_424 : vector<16xf32>
        %add3A_429 = arith.addf %scan3A_387, %mul3A_428 : vector<16xf32>
        %select_n3A_430 = arith.select %gt3A_423, %scan3A_380, %broadcast_in_dim3A_39 : vector<16xi1>, vector<16xf32>
        %min3A_431 = arith.minimumf %scan3A_386, %select_n3A_430 : vector<16xf32>
        %select_n3A_432 = arith.select %gt3A_423, %scan3A_380, %scan3A_388 : vector<16xi1>, vector<16xf32>
        %get3A_433 = arith.index_cast %rem3A_344 : i32 to index
        %get3A_434 = arith.index_cast %add3A_400 : i32 to index
        %get3A_435 = arith.constant 32 : index
        %get3A_436 = tpu.vector_load %arg4[%get3A_433, %get3A_434, %get3A_435] {strides = array<i32>} : memref<2x64x128xf32, #tpu.memory_space<vmem>>, vector<1x1x16xf32>,
        %get3A_437 = vector.shape_cast %get3A_436 : vector<1x1x16xf32> to vector<16xf32>
        %gt3A_438 = arith.constant 0.000000e+00 : f32
        %gt3A_439 = vector.broadcast %gt3A_438 : f32 to vector<16xf32>
        %gt3A_440 = arith.cmpf ogt, %get3A_437, %gt3A_439 : vector<16xf32>
        %select_n3A_441 = arith.select %gt3A_440, %broadcast_in_dim3A_35, %broadcast_in_dim3A_33 : vector<16xi1>, vector<16xf32>
        %sub3A_442 = arith.subf %scan3A_380, %scan3A_392 : vector<16xf32>
        %add3A_443 = arith.addf %scan3A_389, %select_n3A_441 : vector<16xf32>
        %mul3A_444 = arith.mulf %sub3A_442, %sub3A_442 : vector<16xf32>
        %mul3A_445 = arith.mulf %mul3A_444, %select_n3A_441 : vector<16xf32>
        %add3A_446 = arith.addf %scan3A_391, %mul3A_445 : vector<16xf32>
        %select_n3A_447 = arith.select %gt3A_440, %scan3A_380, %broadcast_in_dim3A_39 : vector<16xi1>, vector<16xf32>
        %min3A_448 = arith.minimumf %scan3A_390, %select_n3A_447 : vector<16xf32>
        %select_n3A_449 = arith.select %gt3A_440, %scan3A_380, %scan3A_392 : vector<16xi1>, vector<16xf32>
        %get3A_450 = arith.index_cast %rem3A_344 : i32 to index
        %get3A_451 = arith.index_cast %add3A_400 : i32 to index
        %get3A_452 = arith.constant 48 : index
        %get3A_453 = tpu.vector_load %arg4[%get3A_450, %get3A_451, %get3A_452] {strides = array<i32>} : memref<2x64x128xf32, #tpu.memory_space<vmem>>, vector<1x1x16xf32>,
        %get3A_454 = vector.shape_cast %get3A_453 : vector<1x1x16xf32> to vector<16xf32>
        %gt3A_455 = arith.constant 0.000000e+00 : f32
        %gt3A_456 = vector.broadcast %gt3A_455 : f32 to vector<16xf32>
        %gt3A_457 = arith.cmpf ogt, %get3A_454, %gt3A_456 : vector<16xf32>
        %select_n3A_458 = arith.select %gt3A_457, %broadcast_in_dim3A_35, %broadcast_in_dim3A_33 : vector<16xi1>, vector<16xf32>
        %sub3A_459 = arith.subf %scan3A_380, %scan3A_396 : vector<16xf32>
        %add3A_460 = arith.addf %scan3A_393, %select_n3A_458 : vector<16xf32>
        %mul3A_461 = arith.mulf %sub3A_459, %sub3A_459 : vector<16xf32>
        %mul3A_462 = arith.mulf %mul3A_461, %select_n3A_458 : vector<16xf32>
        %add3A_463 = arith.addf %scan3A_395, %mul3A_462 : vector<16xf32>
        %select_n3A_464 = arith.select %gt3A_457, %scan3A_380, %broadcast_in_dim3A_39 : vector<16xi1>, vector<16xf32>
        %min3A_465 = arith.minimumf %scan3A_394, %select_n3A_464 : vector<16xf32>
        %select_n3A_466 = arith.select %gt3A_457, %scan3A_380, %scan3A_396 : vector<16xi1>, vector<16xf32>
        %add3A_467 = arith.addf %scan3A_380, %broadcast_in_dim3A_35 : vector<16xf32>
        %mul3A_468 = arith.constant 4 : i32
        %mul3A_469 = arith.muli %scan3A_379, %mul3A_468 : i32
        %add3A_470 = arith.constant 1 : i32
        %add3A_471 = arith.addi %mul3A_469, %add3A_470 : i32
        %get3A_472 = arith.index_cast %rem3A_344 : i32 to index
        %get3A_473 = arith.index_cast %add3A_471 : i32 to index
        %get3A_474 = arith.constant 0 : index
        %get3A_475 = tpu.vector_load %arg4[%get3A_472, %get3A_473, %get3A_474] {strides = array<i32>} : memref<2x64x128xf32, #tpu.memory_space<vmem>>, vector<1x1x16xf32>,
        %get3A_476 = vector.shape_cast %get3A_475 : vector<1x1x16xf32> to vector<16xf32>
        %gt3A_477 = arith.constant 0.000000e+00 : f32
        %gt3A_478 = vector.broadcast %gt3A_477 : f32 to vector<16xf32>
        %gt3A_479 = arith.cmpf ogt, %get3A_476, %gt3A_478 : vector<16xf32>
        %select_n3A_480 = arith.select %gt3A_479, %broadcast_in_dim3A_35, %broadcast_in_dim3A_33 : vector<16xi1>, vector<16xf32>
        %sub3A_481 = arith.subf %add3A_467, %select_n3A_415 : vector<16xf32>
        %add3A_482 = arith.addf %add3A_410, %select_n3A_480 : vector<16xf32>
        %mul3A_483 = arith.mulf %sub3A_481, %sub3A_481 : vector<16xf32>
        %mul3A_484 = arith.mulf %mul3A_483, %select_n3A_480 : vector<16xf32>
        %add3A_485 = arith.addf %add3A_413, %mul3A_484 : vector<16xf32>
        %select_n3A_486 = arith.select %gt3A_479, %add3A_467, %broadcast_in_dim3A_39 : vector<16xi1>, vector<16xf32>
        %min3A_487 = arith.minimumf %min3A, %select_n3A_486 : vector<16xf32>
        %select_n3A_488 = arith.select %gt3A_479, %add3A_467, %select_n3A_415 : vector<16xi1>, vector<16xf32>
        %get3A_489 = arith.index_cast %rem3A_344 : i32 to index
        %get3A_490 = arith.index_cast %add3A_471 : i32 to index
        %get3A_491 = arith.constant 16 : index
        %get3A_492 = tpu.vector_load %arg4[%get3A_489, %get3A_490, %get3A_491] {strides = array<i32>} : memref<2x64x128xf32, #tpu.memory_space<vmem>>, vector<1x1x16xf32>,
        %get3A_493 = vector.shape_cast %get3A_492 : vector<1x1x16xf32> to vector<16xf32>
        %gt3A_494 = arith.constant 0.000000e+00 : f32
        %gt3A_495 = vector.broadcast %gt3A_494 : f32 to vector<16xf32>
        %gt3A_496 = arith.cmpf ogt, %get3A_493, %gt3A_495 : vector<16xf32>
        %select_n3A_497 = arith.select %gt3A_496, %broadcast_in_dim3A_35, %broadcast_in_dim3A_33 : vector<16xi1>, vector<16xf32>
        %sub3A_498 = arith.subf %add3A_467, %select_n3A_432 : vector<16xf32>
        %add3A_499 = arith.addf %add3A_426, %select_n3A_497 : vector<16xf32>
        %mul3A_500 = arith.mulf %sub3A_498, %sub3A_498 : vector<16xf32>
        %mul3A_501 = arith.mulf %mul3A_500, %select_n3A_497 : vector<16xf32>
        %add3A_502 = arith.addf %add3A_429, %mul3A_501 : vector<16xf32>
        %select_n3A_503 = arith.select %gt3A_496, %add3A_467, %broadcast_in_dim3A_39 : vector<16xi1>, vector<16xf32>
        %min3A_504 = arith.minimumf %min3A_431, %select_n3A_503 : vector<16xf32>
        %select_n3A_505 = arith.select %gt3A_496, %add3A_467, %select_n3A_432 : vector<16xi1>, vector<16xf32>
        %get3A_506 = arith.index_cast %rem3A_344 : i32 to index
        %get3A_507 = arith.index_cast %add3A_471 : i32 to index
        %get3A_508 = arith.constant 32 : index
        %get3A_509 = tpu.vector_load %arg4[%get3A_506, %get3A_507, %get3A_508] {strides = array<i32>} : memref<2x64x128xf32, #tpu.memory_space<vmem>>, vector<1x1x16xf32>,
        %get3A_510 = vector.shape_cast %get3A_509 : vector<1x1x16xf32> to vector<16xf32>
        %gt3A_511 = arith.constant 0.000000e+00 : f32
        %gt3A_512 = vector.broadcast %gt3A_511 : f32 to vector<16xf32>
        %gt3A_513 = arith.cmpf ogt, %get3A_510, %gt3A_512 : vector<16xf32>
        %select_n3A_514 = arith.select %gt3A_513, %broadcast_in_dim3A_35, %broadcast_in_dim3A_33 : vector<16xi1>, vector<16xf32>
        %sub3A_515 = arith.subf %add3A_467, %select_n3A_449 : vector<16xf32>
        %add3A_516 = arith.addf %add3A_443, %select_n3A_514 : vector<16xf32>
        %mul3A_517 = arith.mulf %sub3A_515, %sub3A_515 : vector<16xf32>
        %mul3A_518 = arith.mulf %mul3A_517, %select_n3A_514 : vector<16xf32>
        %add3A_519 = arith.addf %add3A_446, %mul3A_518 : vector<16xf32>
        %select_n3A_520 = arith.select %gt3A_513, %add3A_467, %broadcast_in_dim3A_39 : vector<16xi1>, vector<16xf32>
        %min3A_521 = arith.minimumf %min3A_448, %select_n3A_520 : vector<16xf32>
        %select_n3A_522 = arith.select %gt3A_513, %add3A_467, %select_n3A_449 : vector<16xi1>, vector<16xf32>
        %get3A_523 = arith.index_cast %rem3A_344 : i32 to index
        %get3A_524 = arith.index_cast %add3A_471 : i32 to index
        %get3A_525 = arith.constant 48 : index
        %get3A_526 = tpu.vector_load %arg4[%get3A_523, %get3A_524, %get3A_525] {strides = array<i32>} : memref<2x64x128xf32, #tpu.memory_space<vmem>>, vector<1x1x16xf32>,
        %get3A_527 = vector.shape_cast %get3A_526 : vector<1x1x16xf32> to vector<16xf32>
        %gt3A_528 = arith.constant 0.000000e+00 : f32
        %gt3A_529 = vector.broadcast %gt3A_528 : f32 to vector<16xf32>
        %gt3A_530 = arith.cmpf ogt, %get3A_527, %gt3A_529 : vector<16xf32>
        %select_n3A_531 = arith.select %gt3A_530, %broadcast_in_dim3A_35, %broadcast_in_dim3A_33 : vector<16xi1>, vector<16xf32>
        %sub3A_532 = arith.subf %add3A_467, %select_n3A_466 : vector<16xf32>
        %add3A_533 = arith.addf %add3A_460, %select_n3A_531 : vector<16xf32>
        %mul3A_534 = arith.mulf %sub3A_532, %sub3A_532 : vector<16xf32>
        %mul3A_535 = arith.mulf %mul3A_534, %select_n3A_531 : vector<16xf32>
        %add3A_536 = arith.addf %add3A_463, %mul3A_535 : vector<16xf32>
        %select_n3A_537 = arith.select %gt3A_530, %add3A_467, %broadcast_in_dim3A_39 : vector<16xi1>, vector<16xf32>
        %min3A_538 = arith.minimumf %min3A_465, %select_n3A_537 : vector<16xf32>
        %select_n3A_539 = arith.select %gt3A_530, %add3A_467, %select_n3A_466 : vector<16xi1>, vector<16xf32>
        %add3A_540 = arith.addf %add3A_467, %broadcast_in_dim3A_35 : vector<16xf32>
        %mul3A_541 = arith.constant 4 : i32
        %mul3A_542 = arith.muli %scan3A_379, %mul3A_541 : i32
        %add3A_543 = arith.constant 2 : i32
        %add3A_544 = arith.addi %mul3A_542, %add3A_543 : i32
        %get3A_545 = arith.index_cast %rem3A_344 : i32 to index
        %get3A_546 = arith.index_cast %add3A_544 : i32 to index
        %get3A_547 = arith.constant 0 : index
        %get3A_548 = tpu.vector_load %arg4[%get3A_545, %get3A_546, %get3A_547] {strides = array<i32>} : memref<2x64x128xf32, #tpu.memory_space<vmem>>, vector<1x1x16xf32>,
        %get3A_549 = vector.shape_cast %get3A_548 : vector<1x1x16xf32> to vector<16xf32>
        %gt3A_550 = arith.constant 0.000000e+00 : f32
        %gt3A_551 = vector.broadcast %gt3A_550 : f32 to vector<16xf32>
        %gt3A_552 = arith.cmpf ogt, %get3A_549, %gt3A_551 : vector<16xf32>
        %select_n3A_553 = arith.select %gt3A_552, %broadcast_in_dim3A_35, %broadcast_in_dim3A_33 : vector<16xi1>, vector<16xf32>
        %sub3A_554 = arith.subf %add3A_540, %select_n3A_488 : vector<16xf32>
        %add3A_555 = arith.addf %add3A_482, %select_n3A_553 : vector<16xf32>
        %mul3A_556 = arith.mulf %sub3A_554, %sub3A_554 : vector<16xf32>
        %mul3A_557 = arith.mulf %mul3A_556, %select_n3A_553 : vector<16xf32>
        %add3A_558 = arith.addf %add3A_485, %mul3A_557 : vector<16xf32>
        %select_n3A_559 = arith.select %gt3A_552, %add3A_540, %broadcast_in_dim3A_39 : vector<16xi1>, vector<16xf32>
        %min3A_560 = arith.minimumf %min3A_487, %select_n3A_559 : vector<16xf32>
        %select_n3A_561 = arith.select %gt3A_552, %add3A_540, %select_n3A_488 : vector<16xi1>, vector<16xf32>
        %get3A_562 = arith.index_cast %rem3A_344 : i32 to index
        %get3A_563 = arith.index_cast %add3A_544 : i32 to index
        %get3A_564 = arith.constant 16 : index
        %get3A_565 = tpu.vector_load %arg4[%get3A_562, %get3A_563, %get3A_564] {strides = array<i32>} : memref<2x64x128xf32, #tpu.memory_space<vmem>>, vector<1x1x16xf32>,
        %get3A_566 = vector.shape_cast %get3A_565 : vector<1x1x16xf32> to vector<16xf32>
        %gt3A_567 = arith.constant 0.000000e+00 : f32
        %gt3A_568 = vector.broadcast %gt3A_567 : f32 to vector<16xf32>
        %gt3A_569 = arith.cmpf ogt, %get3A_566, %gt3A_568 : vector<16xf32>
        %select_n3A_570 = arith.select %gt3A_569, %broadcast_in_dim3A_35, %broadcast_in_dim3A_33 : vector<16xi1>, vector<16xf32>
        %sub3A_571 = arith.subf %add3A_540, %select_n3A_505 : vector<16xf32>
        %add3A_572 = arith.addf %add3A_499, %select_n3A_570 : vector<16xf32>
        %mul3A_573 = arith.mulf %sub3A_571, %sub3A_571 : vector<16xf32>
        %mul3A_574 = arith.mulf %mul3A_573, %select_n3A_570 : vector<16xf32>
        %add3A_575 = arith.addf %add3A_502, %mul3A_574 : vector<16xf32>
        %select_n3A_576 = arith.select %gt3A_569, %add3A_540, %broadcast_in_dim3A_39 : vector<16xi1>, vector<16xf32>
        %min3A_577 = arith.minimumf %min3A_504, %select_n3A_576 : vector<16xf32>
        %select_n3A_578 = arith.select %gt3A_569, %add3A_540, %select_n3A_505 : vector<16xi1>, vector<16xf32>
        %get3A_579 = arith.index_cast %rem3A_344 : i32 to index
        %get3A_580 = arith.index_cast %add3A_544 : i32 to index
        %get3A_581 = arith.constant 32 : index
        %get3A_582 = tpu.vector_load %arg4[%get3A_579, %get3A_580, %get3A_581] {strides = array<i32>} : memref<2x64x128xf32, #tpu.memory_space<vmem>>, vector<1x1x16xf32>,
        %get3A_583 = vector.shape_cast %get3A_582 : vector<1x1x16xf32> to vector<16xf32>
        %gt3A_584 = arith.constant 0.000000e+00 : f32
        %gt3A_585 = vector.broadcast %gt3A_584 : f32 to vector<16xf32>
        %gt3A_586 = arith.cmpf ogt, %get3A_583, %gt3A_585 : vector<16xf32>
        %select_n3A_587 = arith.select %gt3A_586, %broadcast_in_dim3A_35, %broadcast_in_dim3A_33 : vector<16xi1>, vector<16xf32>
        %sub3A_588 = arith.subf %add3A_540, %select_n3A_522 : vector<16xf32>
        %add3A_589 = arith.addf %add3A_516, %select_n3A_587 : vector<16xf32>
        %mul3A_590 = arith.mulf %sub3A_588, %sub3A_588 : vector<16xf32>
        %mul3A_591 = arith.mulf %mul3A_590, %select_n3A_587 : vector<16xf32>
        %add3A_592 = arith.addf %add3A_519, %mul3A_591 : vector<16xf32>
        %select_n3A_593 = arith.select %gt3A_586, %add3A_540, %broadcast_in_dim3A_39 : vector<16xi1>, vector<16xf32>
        %min3A_594 = arith.minimumf %min3A_521, %select_n3A_593 : vector<16xf32>
        %select_n3A_595 = arith.select %gt3A_586, %add3A_540, %select_n3A_522 : vector<16xi1>, vector<16xf32>
        %get3A_596 = arith.index_cast %rem3A_344 : i32 to index
        %get3A_597 = arith.index_cast %add3A_544 : i32 to index
        %get3A_598 = arith.constant 48 : index
        %get3A_599 = tpu.vector_load %arg4[%get3A_596, %get3A_597, %get3A_598] {strides = array<i32>} : memref<2x64x128xf32, #tpu.memory_space<vmem>>, vector<1x1x16xf32>,
        %get3A_600 = vector.shape_cast %get3A_599 : vector<1x1x16xf32> to vector<16xf32>
        %gt3A_601 = arith.constant 0.000000e+00 : f32
        %gt3A_602 = vector.broadcast %gt3A_601 : f32 to vector<16xf32>
        %gt3A_603 = arith.cmpf ogt, %get3A_600, %gt3A_602 : vector<16xf32>
        %select_n3A_604 = arith.select %gt3A_603, %broadcast_in_dim3A_35, %broadcast_in_dim3A_33 : vector<16xi1>, vector<16xf32>
        %sub3A_605 = arith.subf %add3A_540, %select_n3A_539 : vector<16xf32>
        %add3A_606 = arith.addf %add3A_533, %select_n3A_604 : vector<16xf32>
        %mul3A_607 = arith.mulf %sub3A_605, %sub3A_605 : vector<16xf32>
        %mul3A_608 = arith.mulf %mul3A_607, %select_n3A_604 : vector<16xf32>
        %add3A_609 = arith.addf %add3A_536, %mul3A_608 : vector<16xf32>
        %select_n3A_610 = arith.select %gt3A_603, %add3A_540, %broadcast_in_dim3A_39 : vector<16xi1>, vector<16xf32>
        %min3A_611 = arith.minimumf %min3A_538, %select_n3A_610 : vector<16xf32>
        %select_n3A_612 = arith.select %gt3A_603, %add3A_540, %select_n3A_539 : vector<16xi1>, vector<16xf32>
        %add3A_613 = arith.addf %add3A_540, %broadcast_in_dim3A_35 : vector<16xf32>
        %mul3A_614 = arith.constant 4 : i32
        %mul3A_615 = arith.muli %scan3A_379, %mul3A_614 : i32
        %add3A_616 = arith.constant 3 : i32
        %add3A_617 = arith.addi %mul3A_615, %add3A_616 : i32
        %get3A_618 = arith.index_cast %rem3A_344 : i32 to index
        %get3A_619 = arith.index_cast %add3A_617 : i32 to index
        %get3A_620 = arith.constant 0 : index
        %get3A_621 = tpu.vector_load %arg4[%get3A_618, %get3A_619, %get3A_620] {strides = array<i32>} : memref<2x64x128xf32, #tpu.memory_space<vmem>>, vector<1x1x16xf32>,
        %get3A_622 = vector.shape_cast %get3A_621 : vector<1x1x16xf32> to vector<16xf32>
        %gt3A_623 = arith.constant 0.000000e+00 : f32
        %gt3A_624 = vector.broadcast %gt3A_623 : f32 to vector<16xf32>
        %gt3A_625 = arith.cmpf ogt, %get3A_622, %gt3A_624 : vector<16xf32>
        %select_n3A_626 = arith.select %gt3A_625, %broadcast_in_dim3A_35, %broadcast_in_dim3A_33 : vector<16xi1>, vector<16xf32>
        %sub3A_627 = arith.subf %add3A_613, %select_n3A_561 : vector<16xf32>
        %add3A_628 = arith.addf %add3A_555, %select_n3A_626 : vector<16xf32>
        %mul3A_629 = arith.mulf %sub3A_627, %sub3A_627 : vector<16xf32>
        %mul3A_630 = arith.mulf %mul3A_629, %select_n3A_626 : vector<16xf32>
        %add3A_631 = arith.addf %add3A_558, %mul3A_630 : vector<16xf32>
        %select_n3A_632 = arith.select %gt3A_625, %add3A_613, %broadcast_in_dim3A_39 : vector<16xi1>, vector<16xf32>
        %min3A_633 = arith.minimumf %min3A_560, %select_n3A_632 : vector<16xf32>
        %select_n3A_634 = arith.select %gt3A_625, %add3A_613, %select_n3A_561 : vector<16xi1>, vector<16xf32>
        %get3A_635 = arith.index_cast %rem3A_344 : i32 to index
        %get3A_636 = arith.index_cast %add3A_617 : i32 to index
        %get3A_637 = arith.constant 16 : index
        %get3A_638 = tpu.vector_load %arg4[%get3A_635, %get3A_636, %get3A_637] {strides = array<i32>} : memref<2x64x128xf32, #tpu.memory_space<vmem>>, vector<1x1x16xf32>,
        %get3A_639 = vector.shape_cast %get3A_638 : vector<1x1x16xf32> to vector<16xf32>
        %gt3A_640 = arith.constant 0.000000e+00 : f32
        %gt3A_641 = vector.broadcast %gt3A_640 : f32 to vector<16xf32>
        %gt3A_642 = arith.cmpf ogt, %get3A_639, %gt3A_641 : vector<16xf32>
        %select_n3A_643 = arith.select %gt3A_642, %broadcast_in_dim3A_35, %broadcast_in_dim3A_33 : vector<16xi1>, vector<16xf32>
        %sub3A_644 = arith.subf %add3A_613, %select_n3A_578 : vector<16xf32>
        %add3A_645 = arith.addf %add3A_572, %select_n3A_643 : vector<16xf32>
        %mul3A_646 = arith.mulf %sub3A_644, %sub3A_644 : vector<16xf32>
        %mul3A_647 = arith.mulf %mul3A_646, %select_n3A_643 : vector<16xf32>
        %add3A_648 = arith.addf %add3A_575, %mul3A_647 : vector<16xf32>
        %select_n3A_649 = arith.select %gt3A_642, %add3A_613, %broadcast_in_dim3A_39 : vector<16xi1>, vector<16xf32>
        %min3A_650 = arith.minimumf %min3A_577, %select_n3A_649 : vector<16xf32>
        %select_n3A_651 = arith.select %gt3A_642, %add3A_613, %select_n3A_578 : vector<16xi1>, vector<16xf32>
        %get3A_652 = arith.index_cast %rem3A_344 : i32 to index
        %get3A_653 = arith.index_cast %add3A_617 : i32 to index
        %get3A_654 = arith.constant 32 : index
        %get3A_655 = tpu.vector_load %arg4[%get3A_652, %get3A_653, %get3A_654] {strides = array<i32>} : memref<2x64x128xf32, #tpu.memory_space<vmem>>, vector<1x1x16xf32>,
        %get3A_656 = vector.shape_cast %get3A_655 : vector<1x1x16xf32> to vector<16xf32>
        %gt3A_657 = arith.constant 0.000000e+00 : f32
        %gt3A_658 = vector.broadcast %gt3A_657 : f32 to vector<16xf32>
        %gt3A_659 = arith.cmpf ogt, %get3A_656, %gt3A_658 : vector<16xf32>
        %select_n3A_660 = arith.select %gt3A_659, %broadcast_in_dim3A_35, %broadcast_in_dim3A_33 : vector<16xi1>, vector<16xf32>
        %sub3A_661 = arith.subf %add3A_613, %select_n3A_595 : vector<16xf32>
        %add3A_662 = arith.addf %add3A_589, %select_n3A_660 : vector<16xf32>
        %mul3A_663 = arith.mulf %sub3A_661, %sub3A_661 : vector<16xf32>
        %mul3A_664 = arith.mulf %mul3A_663, %select_n3A_660 : vector<16xf32>
        %add3A_665 = arith.addf %add3A_592, %mul3A_664 : vector<16xf32>
        %select_n3A_666 = arith.select %gt3A_659, %add3A_613, %broadcast_in_dim3A_39 : vector<16xi1>, vector<16xf32>
        %min3A_667 = arith.minimumf %min3A_594, %select_n3A_666 : vector<16xf32>
        %select_n3A_668 = arith.select %gt3A_659, %add3A_613, %select_n3A_595 : vector<16xi1>, vector<16xf32>
        %get3A_669 = arith.index_cast %rem3A_344 : i32 to index
        %get3A_670 = arith.index_cast %add3A_617 : i32 to index
        %get3A_671 = arith.constant 48 : index
        %get3A_672 = tpu.vector_load %arg4[%get3A_669, %get3A_670, %get3A_671] {strides = array<i32>} : memref<2x64x128xf32, #tpu.memory_space<vmem>>, vector<1x1x16xf32>,
        %get3A_673 = vector.shape_cast %get3A_672 : vector<1x1x16xf32> to vector<16xf32>
        %gt3A_674 = arith.constant 0.000000e+00 : f32
        %gt3A_675 = vector.broadcast %gt3A_674 : f32 to vector<16xf32>
        %gt3A_676 = arith.cmpf ogt, %get3A_673, %gt3A_675 : vector<16xf32>
        %select_n3A_677 = arith.select %gt3A_676, %broadcast_in_dim3A_35, %broadcast_in_dim3A_33 : vector<16xi1>, vector<16xf32>
        %sub3A_678 = arith.subf %add3A_613, %select_n3A_612 : vector<16xf32>
        %add3A_679 = arith.addf %add3A_606, %select_n3A_677 : vector<16xf32>
        %mul3A_680 = arith.mulf %sub3A_678, %sub3A_678 : vector<16xf32>
        %mul3A_681 = arith.mulf %mul3A_680, %select_n3A_677 : vector<16xf32>
        %add3A_682 = arith.addf %add3A_609, %mul3A_681 : vector<16xf32>
        %select_n3A_683 = arith.select %gt3A_676, %add3A_613, %broadcast_in_dim3A_39 : vector<16xi1>, vector<16xf32>
        %min3A_684 = arith.minimumf %min3A_611, %select_n3A_683 : vector<16xf32>
        %select_n3A_685 = arith.select %gt3A_676, %add3A_613, %select_n3A_612 : vector<16xi1>, vector<16xf32>
        %add3A_686 = arith.addf %add3A_613, %broadcast_in_dim3A_35 : vector<16xf32>
        scf.yield %add3A_686, %add3A_628, %min3A_633, %add3A_631, %select_n3A_634, %add3A_645, %min3A_650, %add3A_648, %select_n3A_651, %add3A_662, %min3A_667, %add3A_665, %select_n3A_668, %add3A_679, %min3A_684, %add3A_682, %select_n3A_685 : vector<16xf32>, vector<16xf32>, vector<16xf32>, vector<16xf32>, vector<16xf32>, vector<16xf32>, vector<16xf32>, vector<16xf32>, vector<16xf32>, vector<16xf32>, vector<16xf32>, vector<16xf32>, vector<16xf32>, vector<16xf32>, vector<16xf32>, vector<16xf32>, vector<16xf32>
      }
      %scan3A_372 = arith.constant 16 : i32
      %scan3A_373 = arith.constant 0 : i32
      %scan3A_374 = arith.constant 16 : i32
      %scan3A_375 = arith.addi %scan3A_373, %scan3A_374 : i32
      %scan3A_376 = arith.constant 1 : i32
      %scan3A_377:17 = scf.for %scan3A_379 = %scan3A_373 to %scan3A_375 step %scan3A_376 iter_args(%scan3A_380 = %scan3A_310, %scan3A_381 = %scan3A_327, %scan3A_382 = %scan3A_328, %scan3A_383 = %scan3A_329, %scan3A_384 = %scan3A_330, %scan3A_385 = %scan3A_331, %scan3A_386 = %scan3A_332, %scan3A_387 = %scan3A_333, %scan3A_388 = %scan3A_334, %scan3A_389 = %scan3A_335, %scan3A_390 = %scan3A_336, %scan3A_391 = %scan3A_337, %scan3A_392 = %scan3A_338, %scan3A_393 = %scan3A_339, %scan3A_394 = %scan3A_340, %scan3A_395 = %scan3A_341, %scan3A_396 = %scan3A_342) -> (vector<16xf32>, vector<16xf32>, vector<16xf32>, vector<16xf32>, vector<16xf32>, vector<16xf32>, vector<16xf32>, vector<16xf32>, vector<16xf32>, vector<16xf32>, vector<16xf32>, vector<16xf32>, vector<16xf32>, vector<16xf32>, vector<16xf32>, vector<16xf32>, vector<16xf32>)  : i32 {
        %mul3A_397 = arith.constant 4 : i32
        %mul3A_398 = arith.muli %scan3A_379, %mul3A_397 : i32
        %add3A_399 = arith.constant 0 : i32
        %add3A_400 = arith.addi %mul3A_398, %add3A_399 : i32
        %get3A = arith.index_cast %rem3A_344 : i32 to index
        %get3A_401 = arith.index_cast %add3A_400 : i32 to index
        %get3A_402 = arith.constant 64 : index
        %get3A_403 = tpu.vector_load %arg4[%get3A, %get3A_401, %get3A_402] {strides = array<i32>} : memref<2x64x128xf32, #tpu.memory_space<vmem>>, vector<1x1x16xf32>,
        %get3A_404 = vector.shape_cast %get3A_403 : vector<1x1x16xf32> to vector<16xf32>
        %gt3A_405 = arith.constant 0.000000e+00 : f32
        %gt3A_406 = vector.broadcast %gt3A_405 : f32 to vector<16xf32>
        %gt3A_407 = arith.cmpf ogt, %get3A_404, %gt3A_406 : vector<16xf32>
        %select_n3A_408 = arith.select %gt3A_407, %broadcast_in_dim3A_35, %broadcast_in_dim3A_33 : vector<16xi1>, vector<16xf32>
        %sub3A_409 = arith.subf %scan3A_380, %scan3A_384 : vector<16xf32>
        %add3A_410 = arith.addf %scan3A_381, %select_n3A_408 : vector<16xf32>
        %mul3A_411 = arith.mulf %sub3A_409, %sub3A_409 : vector<16xf32>
        %mul3A_412 = arith.mulf %mul3A_411, %select_n3A_408 : vector<16xf32>
        %add3A_413 = arith.addf %scan3A_383, %mul3A_412 : vector<16xf32>
        %select_n3A_414 = arith.select %gt3A_407, %scan3A_380, %broadcast_in_dim3A_39 : vector<16xi1>, vector<16xf32>
        %min3A = arith.minimumf %scan3A_382, %select_n3A_414 : vector<16xf32>
        %select_n3A_415 = arith.select %gt3A_407, %scan3A_380, %scan3A_384 : vector<16xi1>, vector<16xf32>
        %get3A_416 = arith.index_cast %rem3A_344 : i32 to index
        %get3A_417 = arith.index_cast %add3A_400 : i32 to index
        %get3A_418 = arith.constant 80 : index
        %get3A_419 = tpu.vector_load %arg4[%get3A_416, %get3A_417, %get3A_418] {strides = array<i32>} : memref<2x64x128xf32, #tpu.memory_space<vmem>>, vector<1x1x16xf32>,
        %get3A_420 = vector.shape_cast %get3A_419 : vector<1x1x16xf32> to vector<16xf32>
        %gt3A_421 = arith.constant 0.000000e+00 : f32
        %gt3A_422 = vector.broadcast %gt3A_421 : f32 to vector<16xf32>
        %gt3A_423 = arith.cmpf ogt, %get3A_420, %gt3A_422 : vector<16xf32>
        %select_n3A_424 = arith.select %gt3A_423, %broadcast_in_dim3A_35, %broadcast_in_dim3A_33 : vector<16xi1>, vector<16xf32>
        %sub3A_425 = arith.subf %scan3A_380, %scan3A_388 : vector<16xf32>
        %add3A_426 = arith.addf %scan3A_385, %select_n3A_424 : vector<16xf32>
        %mul3A_427 = arith.mulf %sub3A_425, %sub3A_425 : vector<16xf32>
        %mul3A_428 = arith.mulf %mul3A_427, %select_n3A_424 : vector<16xf32>
        %add3A_429 = arith.addf %scan3A_387, %mul3A_428 : vector<16xf32>
        %select_n3A_430 = arith.select %gt3A_423, %scan3A_380, %broadcast_in_dim3A_39 : vector<16xi1>, vector<16xf32>
        %min3A_431 = arith.minimumf %scan3A_386, %select_n3A_430 : vector<16xf32>
        %select_n3A_432 = arith.select %gt3A_423, %scan3A_380, %scan3A_388 : vector<16xi1>, vector<16xf32>
        %get3A_433 = arith.index_cast %rem3A_344 : i32 to index
        %get3A_434 = arith.index_cast %add3A_400 : i32 to index
        %get3A_435 = arith.constant 96 : index
        %get3A_436 = tpu.vector_load %arg4[%get3A_433, %get3A_434, %get3A_435] {strides = array<i32>} : memref<2x64x128xf32, #tpu.memory_space<vmem>>, vector<1x1x16xf32>,
        %get3A_437 = vector.shape_cast %get3A_436 : vector<1x1x16xf32> to vector<16xf32>
        %gt3A_438 = arith.constant 0.000000e+00 : f32
        %gt3A_439 = vector.broadcast %gt3A_438 : f32 to vector<16xf32>
        %gt3A_440 = arith.cmpf ogt, %get3A_437, %gt3A_439 : vector<16xf32>
        %select_n3A_441 = arith.select %gt3A_440, %broadcast_in_dim3A_35, %broadcast_in_dim3A_33 : vector<16xi1>, vector<16xf32>
        %sub3A_442 = arith.subf %scan3A_380, %scan3A_392 : vector<16xf32>
        %add3A_443 = arith.addf %scan3A_389, %select_n3A_441 : vector<16xf32>
        %mul3A_444 = arith.mulf %sub3A_442, %sub3A_442 : vector<16xf32>
        %mul3A_445 = arith.mulf %mul3A_444, %select_n3A_441 : vector<16xf32>
        %add3A_446 = arith.addf %scan3A_391, %mul3A_445 : vector<16xf32>
        %select_n3A_447 = arith.select %gt3A_440, %scan3A_380, %broadcast_in_dim3A_39 : vector<16xi1>, vector<16xf32>
        %min3A_448 = arith.minimumf %scan3A_390, %select_n3A_447 : vector<16xf32>
        %select_n3A_449 = arith.select %gt3A_440, %scan3A_380, %scan3A_392 : vector<16xi1>, vector<16xf32>
        %get3A_450 = arith.index_cast %rem3A_344 : i32 to index
        %get3A_451 = arith.index_cast %add3A_400 : i32 to index
        %get3A_452 = arith.constant 112 : index
        %get3A_453 = tpu.vector_load %arg4[%get3A_450, %get3A_451, %get3A_452] {strides = array<i32>} : memref<2x64x128xf32, #tpu.memory_space<vmem>>, vector<1x1x16xf32>,
        %get3A_454 = vector.shape_cast %get3A_453 : vector<1x1x16xf32> to vector<16xf32>
        %gt3A_455 = arith.constant 0.000000e+00 : f32
        %gt3A_456 = vector.broadcast %gt3A_455 : f32 to vector<16xf32>
        %gt3A_457 = arith.cmpf ogt, %get3A_454, %gt3A_456 : vector<16xf32>
        %select_n3A_458 = arith.select %gt3A_457, %broadcast_in_dim3A_35, %broadcast_in_dim3A_33 : vector<16xi1>, vector<16xf32>
        %sub3A_459 = arith.subf %scan3A_380, %scan3A_396 : vector<16xf32>
        %add3A_460 = arith.addf %scan3A_393, %select_n3A_458 : vector<16xf32>
        %mul3A_461 = arith.mulf %sub3A_459, %sub3A_459 : vector<16xf32>
        %mul3A_462 = arith.mulf %mul3A_461, %select_n3A_458 : vector<16xf32>
        %add3A_463 = arith.addf %scan3A_395, %mul3A_462 : vector<16xf32>
        %select_n3A_464 = arith.select %gt3A_457, %scan3A_380, %broadcast_in_dim3A_39 : vector<16xi1>, vector<16xf32>
        %min3A_465 = arith.minimumf %scan3A_394, %select_n3A_464 : vector<16xf32>
        %select_n3A_466 = arith.select %gt3A_457, %scan3A_380, %scan3A_396 : vector<16xi1>, vector<16xf32>
        %add3A_467 = arith.addf %scan3A_380, %broadcast_in_dim3A_35 : vector<16xf32>
        %mul3A_468 = arith.constant 4 : i32
        %mul3A_469 = arith.muli %scan3A_379, %mul3A_468 : i32
        %add3A_470 = arith.constant 1 : i32
        %add3A_471 = arith.addi %mul3A_469, %add3A_470 : i32
        %get3A_472 = arith.index_cast %rem3A_344 : i32 to index
        %get3A_473 = arith.index_cast %add3A_471 : i32 to index
        %get3A_474 = arith.constant 64 : index
        %get3A_475 = tpu.vector_load %arg4[%get3A_472, %get3A_473, %get3A_474] {strides = array<i32>} : memref<2x64x128xf32, #tpu.memory_space<vmem>>, vector<1x1x16xf32>,
        %get3A_476 = vector.shape_cast %get3A_475 : vector<1x1x16xf32> to vector<16xf32>
        %gt3A_477 = arith.constant 0.000000e+00 : f32
        %gt3A_478 = vector.broadcast %gt3A_477 : f32 to vector<16xf32>
        %gt3A_479 = arith.cmpf ogt, %get3A_476, %gt3A_478 : vector<16xf32>
        %select_n3A_480 = arith.select %gt3A_479, %broadcast_in_dim3A_35, %broadcast_in_dim3A_33 : vector<16xi1>, vector<16xf32>
        %sub3A_481 = arith.subf %add3A_467, %select_n3A_415 : vector<16xf32>
        %add3A_482 = arith.addf %add3A_410, %select_n3A_480 : vector<16xf32>
        %mul3A_483 = arith.mulf %sub3A_481, %sub3A_481 : vector<16xf32>
        %mul3A_484 = arith.mulf %mul3A_483, %select_n3A_480 : vector<16xf32>
        %add3A_485 = arith.addf %add3A_413, %mul3A_484 : vector<16xf32>
        %select_n3A_486 = arith.select %gt3A_479, %add3A_467, %broadcast_in_dim3A_39 : vector<16xi1>, vector<16xf32>
        %min3A_487 = arith.minimumf %min3A, %select_n3A_486 : vector<16xf32>
        %select_n3A_488 = arith.select %gt3A_479, %add3A_467, %select_n3A_415 : vector<16xi1>, vector<16xf32>
        %get3A_489 = arith.index_cast %rem3A_344 : i32 to index
        %get3A_490 = arith.index_cast %add3A_471 : i32 to index
        %get3A_491 = arith.constant 80 : index
        %get3A_492 = tpu.vector_load %arg4[%get3A_489, %get3A_490, %get3A_491] {strides = array<i32>} : memref<2x64x128xf32, #tpu.memory_space<vmem>>, vector<1x1x16xf32>,
        %get3A_493 = vector.shape_cast %get3A_492 : vector<1x1x16xf32> to vector<16xf32>
        %gt3A_494 = arith.constant 0.000000e+00 : f32
        %gt3A_495 = vector.broadcast %gt3A_494 : f32 to vector<16xf32>
        %gt3A_496 = arith.cmpf ogt, %get3A_493, %gt3A_495 : vector<16xf32>
        %select_n3A_497 = arith.select %gt3A_496, %broadcast_in_dim3A_35, %broadcast_in_dim3A_33 : vector<16xi1>, vector<16xf32>
        %sub3A_498 = arith.subf %add3A_467, %select_n3A_432 : vector<16xf32>
        %add3A_499 = arith.addf %add3A_426, %select_n3A_497 : vector<16xf32>
        %mul3A_500 = arith.mulf %sub3A_498, %sub3A_498 : vector<16xf32>
        %mul3A_501 = arith.mulf %mul3A_500, %select_n3A_497 : vector<16xf32>
        %add3A_502 = arith.addf %add3A_429, %mul3A_501 : vector<16xf32>
        %select_n3A_503 = arith.select %gt3A_496, %add3A_467, %broadcast_in_dim3A_39 : vector<16xi1>, vector<16xf32>
        %min3A_504 = arith.minimumf %min3A_431, %select_n3A_503 : vector<16xf32>
        %select_n3A_505 = arith.select %gt3A_496, %add3A_467, %select_n3A_432 : vector<16xi1>, vector<16xf32>
        %get3A_506 = arith.index_cast %rem3A_344 : i32 to index
        %get3A_507 = arith.index_cast %add3A_471 : i32 to index
        %get3A_508 = arith.constant 96 : index
        %get3A_509 = tpu.vector_load %arg4[%get3A_506, %get3A_507, %get3A_508] {strides = array<i32>} : memref<2x64x128xf32, #tpu.memory_space<vmem>>, vector<1x1x16xf32>,
        %get3A_510 = vector.shape_cast %get3A_509 : vector<1x1x16xf32> to vector<16xf32>
        %gt3A_511 = arith.constant 0.000000e+00 : f32
        %gt3A_512 = vector.broadcast %gt3A_511 : f32 to vector<16xf32>
        %gt3A_513 = arith.cmpf ogt, %get3A_510, %gt3A_512 : vector<16xf32>
        %select_n3A_514 = arith.select %gt3A_513, %broadcast_in_dim3A_35, %broadcast_in_dim3A_33 : vector<16xi1>, vector<16xf32>
        %sub3A_515 = arith.subf %add3A_467, %select_n3A_449 : vector<16xf32>
        %add3A_516 = arith.addf %add3A_443, %select_n3A_514 : vector<16xf32>
        %mul3A_517 = arith.mulf %sub3A_515, %sub3A_515 : vector<16xf32>
        %mul3A_518 = arith.mulf %mul3A_517, %select_n3A_514 : vector<16xf32>
        %add3A_519 = arith.addf %add3A_446, %mul3A_518 : vector<16xf32>
        %select_n3A_520 = arith.select %gt3A_513, %add3A_467, %broadcast_in_dim3A_39 : vector<16xi1>, vector<16xf32>
        %min3A_521 = arith.minimumf %min3A_448, %select_n3A_520 : vector<16xf32>
        %select_n3A_522 = arith.select %gt3A_513, %add3A_467, %select_n3A_449 : vector<16xi1>, vector<16xf32>
        %get3A_523 = arith.index_cast %rem3A_344 : i32 to index
        %get3A_524 = arith.index_cast %add3A_471 : i32 to index
        %get3A_525 = arith.constant 112 : index
        %get3A_526 = tpu.vector_load %arg4[%get3A_523, %get3A_524, %get3A_525] {strides = array<i32>} : memref<2x64x128xf32, #tpu.memory_space<vmem>>, vector<1x1x16xf32>,
        %get3A_527 = vector.shape_cast %get3A_526 : vector<1x1x16xf32> to vector<16xf32>
        %gt3A_528 = arith.constant 0.000000e+00 : f32
        %gt3A_529 = vector.broadcast %gt3A_528 : f32 to vector<16xf32>
        %gt3A_530 = arith.cmpf ogt, %get3A_527, %gt3A_529 : vector<16xf32>
        %select_n3A_531 = arith.select %gt3A_530, %broadcast_in_dim3A_35, %broadcast_in_dim3A_33 : vector<16xi1>, vector<16xf32>
        %sub3A_532 = arith.subf %add3A_467, %select_n3A_466 : vector<16xf32>
        %add3A_533 = arith.addf %add3A_460, %select_n3A_531 : vector<16xf32>
        %mul3A_534 = arith.mulf %sub3A_532, %sub3A_532 : vector<16xf32>
        %mul3A_535 = arith.mulf %mul3A_534, %select_n3A_531 : vector<16xf32>
        %add3A_536 = arith.addf %add3A_463, %mul3A_535 : vector<16xf32>
        %select_n3A_537 = arith.select %gt3A_530, %add3A_467, %broadcast_in_dim3A_39 : vector<16xi1>, vector<16xf32>
        %min3A_538 = arith.minimumf %min3A_465, %select_n3A_537 : vector<16xf32>
        %select_n3A_539 = arith.select %gt3A_530, %add3A_467, %select_n3A_466 : vector<16xi1>, vector<16xf32>
        %add3A_540 = arith.addf %add3A_467, %broadcast_in_dim3A_35 : vector<16xf32>
        %mul3A_541 = arith.constant 4 : i32
        %mul3A_542 = arith.muli %scan3A_379, %mul3A_541 : i32
        %add3A_543 = arith.constant 2 : i32
        %add3A_544 = arith.addi %mul3A_542, %add3A_543 : i32
        %get3A_545 = arith.index_cast %rem3A_344 : i32 to index
        %get3A_546 = arith.index_cast %add3A_544 : i32 to index
        %get3A_547 = arith.constant 64 : index
        %get3A_548 = tpu.vector_load %arg4[%get3A_545, %get3A_546, %get3A_547] {strides = array<i32>} : memref<2x64x128xf32, #tpu.memory_space<vmem>>, vector<1x1x16xf32>,
        %get3A_549 = vector.shape_cast %get3A_548 : vector<1x1x16xf32> to vector<16xf32>
        %gt3A_550 = arith.constant 0.000000e+00 : f32
        %gt3A_551 = vector.broadcast %gt3A_550 : f32 to vector<16xf32>
        %gt3A_552 = arith.cmpf ogt, %get3A_549, %gt3A_551 : vector<16xf32>
        %select_n3A_553 = arith.select %gt3A_552, %broadcast_in_dim3A_35, %broadcast_in_dim3A_33 : vector<16xi1>, vector<16xf32>
        %sub3A_554 = arith.subf %add3A_540, %select_n3A_488 : vector<16xf32>
        %add3A_555 = arith.addf %add3A_482, %select_n3A_553 : vector<16xf32>
        %mul3A_556 = arith.mulf %sub3A_554, %sub3A_554 : vector<16xf32>
        %mul3A_557 = arith.mulf %mul3A_556, %select_n3A_553 : vector<16xf32>
        %add3A_558 = arith.addf %add3A_485, %mul3A_557 : vector<16xf32>
        %select_n3A_559 = arith.select %gt3A_552, %add3A_540, %broadcast_in_dim3A_39 : vector<16xi1>, vector<16xf32>
        %min3A_560 = arith.minimumf %min3A_487, %select_n3A_559 : vector<16xf32>
        %select_n3A_561 = arith.select %gt3A_552, %add3A_540, %select_n3A_488 : vector<16xi1>, vector<16xf32>
        %get3A_562 = arith.index_cast %rem3A_344 : i32 to index
        %get3A_563 = arith.index_cast %add3A_544 : i32 to index
        %get3A_564 = arith.constant 80 : index
        %get3A_565 = tpu.vector_load %arg4[%get3A_562, %get3A_563, %get3A_564] {strides = array<i32>} : memref<2x64x128xf32, #tpu.memory_space<vmem>>, vector<1x1x16xf32>,
        %get3A_566 = vector.shape_cast %get3A_565 : vector<1x1x16xf32> to vector<16xf32>
        %gt3A_567 = arith.constant 0.000000e+00 : f32
        %gt3A_568 = vector.broadcast %gt3A_567 : f32 to vector<16xf32>
        %gt3A_569 = arith.cmpf ogt, %get3A_566, %gt3A_568 : vector<16xf32>
        %select_n3A_570 = arith.select %gt3A_569, %broadcast_in_dim3A_35, %broadcast_in_dim3A_33 : vector<16xi1>, vector<16xf32>
        %sub3A_571 = arith.subf %add3A_540, %select_n3A_505 : vector<16xf32>
        %add3A_572 = arith.addf %add3A_499, %select_n3A_570 : vector<16xf32>
        %mul3A_573 = arith.mulf %sub3A_571, %sub3A_571 : vector<16xf32>
        %mul3A_574 = arith.mulf %mul3A_573, %select_n3A_570 : vector<16xf32>
        %add3A_575 = arith.addf %add3A_502, %mul3A_574 : vector<16xf32>
        %select_n3A_576 = arith.select %gt3A_569, %add3A_540, %broadcast_in_dim3A_39 : vector<16xi1>, vector<16xf32>
        %min3A_577 = arith.minimumf %min3A_504, %select_n3A_576 : vector<16xf32>
        %select_n3A_578 = arith.select %gt3A_569, %add3A_540, %select_n3A_505 : vector<16xi1>, vector<16xf32>
        %get3A_579 = arith.index_cast %rem3A_344 : i32 to index
        %get3A_580 = arith.index_cast %add3A_544 : i32 to index
        %get3A_581 = arith.constant 96 : index
        %get3A_582 = tpu.vector_load %arg4[%get3A_579, %get3A_580, %get3A_581] {strides = array<i32>} : memref<2x64x128xf32, #tpu.memory_space<vmem>>, vector<1x1x16xf32>,
        %get3A_583 = vector.shape_cast %get3A_582 : vector<1x1x16xf32> to vector<16xf32>
        %gt3A_584 = arith.constant 0.000000e+00 : f32
        %gt3A_585 = vector.broadcast %gt3A_584 : f32 to vector<16xf32>
        %gt3A_586 = arith.cmpf ogt, %get3A_583, %gt3A_585 : vector<16xf32>
        %select_n3A_587 = arith.select %gt3A_586, %broadcast_in_dim3A_35, %broadcast_in_dim3A_33 : vector<16xi1>, vector<16xf32>
        %sub3A_588 = arith.subf %add3A_540, %select_n3A_522 : vector<16xf32>
        %add3A_589 = arith.addf %add3A_516, %select_n3A_587 : vector<16xf32>
        %mul3A_590 = arith.mulf %sub3A_588, %sub3A_588 : vector<16xf32>
        %mul3A_591 = arith.mulf %mul3A_590, %select_n3A_587 : vector<16xf32>
        %add3A_592 = arith.addf %add3A_519, %mul3A_591 : vector<16xf32>
        %select_n3A_593 = arith.select %gt3A_586, %add3A_540, %broadcast_in_dim3A_39 : vector<16xi1>, vector<16xf32>
        %min3A_594 = arith.minimumf %min3A_521, %select_n3A_593 : vector<16xf32>
        %select_n3A_595 = arith.select %gt3A_586, %add3A_540, %select_n3A_522 : vector<16xi1>, vector<16xf32>
        %get3A_596 = arith.index_cast %rem3A_344 : i32 to index
        %get3A_597 = arith.index_cast %add3A_544 : i32 to index
        %get3A_598 = arith.constant 112 : index
        %get3A_599 = tpu.vector_load %arg4[%get3A_596, %get3A_597, %get3A_598] {strides = array<i32>} : memref<2x64x128xf32, #tpu.memory_space<vmem>>, vector<1x1x16xf32>,
        %get3A_600 = vector.shape_cast %get3A_599 : vector<1x1x16xf32> to vector<16xf32>
        %gt3A_601 = arith.constant 0.000000e+00 : f32
        %gt3A_602 = vector.broadcast %gt3A_601 : f32 to vector<16xf32>
        %gt3A_603 = arith.cmpf ogt, %get3A_600, %gt3A_602 : vector<16xf32>
        %select_n3A_604 = arith.select %gt3A_603, %broadcast_in_dim3A_35, %broadcast_in_dim3A_33 : vector<16xi1>, vector<16xf32>
        %sub3A_605 = arith.subf %add3A_540, %select_n3A_539 : vector<16xf32>
        %add3A_606 = arith.addf %add3A_533, %select_n3A_604 : vector<16xf32>
        %mul3A_607 = arith.mulf %sub3A_605, %sub3A_605 : vector<16xf32>
        %mul3A_608 = arith.mulf %mul3A_607, %select_n3A_604 : vector<16xf32>
        %add3A_609 = arith.addf %add3A_536, %mul3A_608 : vector<16xf32>
        %select_n3A_610 = arith.select %gt3A_603, %add3A_540, %broadcast_in_dim3A_39 : vector<16xi1>, vector<16xf32>
        %min3A_611 = arith.minimumf %min3A_538, %select_n3A_610 : vector<16xf32>
        %select_n3A_612 = arith.select %gt3A_603, %add3A_540, %select_n3A_539 : vector<16xi1>, vector<16xf32>
        %add3A_613 = arith.addf %add3A_540, %broadcast_in_dim3A_35 : vector<16xf32>
        %mul3A_614 = arith.constant 4 : i32
        %mul3A_615 = arith.muli %scan3A_379, %mul3A_614 : i32
        %add3A_616 = arith.constant 3 : i32
        %add3A_617 = arith.addi %mul3A_615, %add3A_616 : i32
        %get3A_618 = arith.index_cast %rem3A_344 : i32 to index
        %get3A_619 = arith.index_cast %add3A_617 : i32 to index
        %get3A_620 = arith.constant 64 : index
        %get3A_621 = tpu.vector_load %arg4[%get3A_618, %get3A_619, %get3A_620] {strides = array<i32>} : memref<2x64x128xf32, #tpu.memory_space<vmem>>, vector<1x1x16xf32>,
        %get3A_622 = vector.shape_cast %get3A_621 : vector<1x1x16xf32> to vector<16xf32>
        %gt3A_623 = arith.constant 0.000000e+00 : f32
        %gt3A_624 = vector.broadcast %gt3A_623 : f32 to vector<16xf32>
        %gt3A_625 = arith.cmpf ogt, %get3A_622, %gt3A_624 : vector<16xf32>
        %select_n3A_626 = arith.select %gt3A_625, %broadcast_in_dim3A_35, %broadcast_in_dim3A_33 : vector<16xi1>, vector<16xf32>
        %sub3A_627 = arith.subf %add3A_613, %select_n3A_561 : vector<16xf32>
        %add3A_628 = arith.addf %add3A_555, %select_n3A_626 : vector<16xf32>
        %mul3A_629 = arith.mulf %sub3A_627, %sub3A_627 : vector<16xf32>
        %mul3A_630 = arith.mulf %mul3A_629, %select_n3A_626 : vector<16xf32>
        %add3A_631 = arith.addf %add3A_558, %mul3A_630 : vector<16xf32>
        %select_n3A_632 = arith.select %gt3A_625, %add3A_613, %broadcast_in_dim3A_39 : vector<16xi1>, vector<16xf32>
        %min3A_633 = arith.minimumf %min3A_560, %select_n3A_632 : vector<16xf32>
        %select_n3A_634 = arith.select %gt3A_625, %add3A_613, %select_n3A_561 : vector<16xi1>, vector<16xf32>
        %get3A_635 = arith.index_cast %rem3A_344 : i32 to index
        %get3A_636 = arith.index_cast %add3A_617 : i32 to index
        %get3A_637 = arith.constant 80 : index
        %get3A_638 = tpu.vector_load %arg4[%get3A_635, %get3A_636, %get3A_637] {strides = array<i32>} : memref<2x64x128xf32, #tpu.memory_space<vmem>>, vector<1x1x16xf32>,
        %get3A_639 = vector.shape_cast %get3A_638 : vector<1x1x16xf32> to vector<16xf32>
        %gt3A_640 = arith.constant 0.000000e+00 : f32
        %gt3A_641 = vector.broadcast %gt3A_640 : f32 to vector<16xf32>
        %gt3A_642 = arith.cmpf ogt, %get3A_639, %gt3A_641 : vector<16xf32>
        %select_n3A_643 = arith.select %gt3A_642, %broadcast_in_dim3A_35, %broadcast_in_dim3A_33 : vector<16xi1>, vector<16xf32>
        %sub3A_644 = arith.subf %add3A_613, %select_n3A_578 : vector<16xf32>
        %add3A_645 = arith.addf %add3A_572, %select_n3A_643 : vector<16xf32>
        %mul3A_646 = arith.mulf %sub3A_644, %sub3A_644 : vector<16xf32>
        %mul3A_647 = arith.mulf %mul3A_646, %select_n3A_643 : vector<16xf32>
        %add3A_648 = arith.addf %add3A_575, %mul3A_647 : vector<16xf32>
        %select_n3A_649 = arith.select %gt3A_642, %add3A_613, %broadcast_in_dim3A_39 : vector<16xi1>, vector<16xf32>
        %min3A_650 = arith.minimumf %min3A_577, %select_n3A_649 : vector<16xf32>
        %select_n3A_651 = arith.select %gt3A_642, %add3A_613, %select_n3A_578 : vector<16xi1>, vector<16xf32>
        %get3A_652 = arith.index_cast %rem3A_344 : i32 to index
        %get3A_653 = arith.index_cast %add3A_617 : i32 to index
        %get3A_654 = arith.constant 96 : index
        %get3A_655 = tpu.vector_load %arg4[%get3A_652, %get3A_653, %get3A_654] {strides = array<i32>} : memref<2x64x128xf32, #tpu.memory_space<vmem>>, vector<1x1x16xf32>,
        %get3A_656 = vector.shape_cast %get3A_655 : vector<1x1x16xf32> to vector<16xf32>
        %gt3A_657 = arith.constant 0.000000e+00 : f32
        %gt3A_658 = vector.broadcast %gt3A_657 : f32 to vector<16xf32>
        %gt3A_659 = arith.cmpf ogt, %get3A_656, %gt3A_658 : vector<16xf32>
        %select_n3A_660 = arith.select %gt3A_659, %broadcast_in_dim3A_35, %broadcast_in_dim3A_33 : vector<16xi1>, vector<16xf32>
        %sub3A_661 = arith.subf %add3A_613, %select_n3A_595 : vector<16xf32>
        %add3A_662 = arith.addf %add3A_589, %select_n3A_660 : vector<16xf32>
        %mul3A_663 = arith.mulf %sub3A_661, %sub3A_661 : vector<16xf32>
        %mul3A_664 = arith.mulf %mul3A_663, %select_n3A_660 : vector<16xf32>
        %add3A_665 = arith.addf %add3A_592, %mul3A_664 : vector<16xf32>
        %select_n3A_666 = arith.select %gt3A_659, %add3A_613, %broadcast_in_dim3A_39 : vector<16xi1>, vector<16xf32>
        %min3A_667 = arith.minimumf %min3A_594, %select_n3A_666 : vector<16xf32>
        %select_n3A_668 = arith.select %gt3A_659, %add3A_613, %select_n3A_595 : vector<16xi1>, vector<16xf32>
        %get3A_669 = arith.index_cast %rem3A_344 : i32 to index
        %get3A_670 = arith.index_cast %add3A_617 : i32 to index
        %get3A_671 = arith.constant 112 : index
        %get3A_672 = tpu.vector_load %arg4[%get3A_669, %get3A_670, %get3A_671] {strides = array<i32>} : memref<2x64x128xf32, #tpu.memory_space<vmem>>, vector<1x1x16xf32>,
        %get3A_673 = vector.shape_cast %get3A_672 : vector<1x1x16xf32> to vector<16xf32>
        %gt3A_674 = arith.constant 0.000000e+00 : f32
        %gt3A_675 = vector.broadcast %gt3A_674 : f32 to vector<16xf32>
        %gt3A_676 = arith.cmpf ogt, %get3A_673, %gt3A_675 : vector<16xf32>
        %select_n3A_677 = arith.select %gt3A_676, %broadcast_in_dim3A_35, %broadcast_in_dim3A_33 : vector<16xi1>, vector<16xf32>
        %sub3A_678 = arith.subf %add3A_613, %select_n3A_612 : vector<16xf32>
        %add3A_679 = arith.addf %add3A_606, %select_n3A_677 : vector<16xf32>
        %mul3A_680 = arith.mulf %sub3A_678, %sub3A_678 : vector<16xf32>
        %mul3A_681 = arith.mulf %mul3A_680, %select_n3A_677 : vector<16xf32>
        %add3A_682 = arith.addf %add3A_609, %mul3A_681 : vector<16xf32>
        %select_n3A_683 = arith.select %gt3A_676, %add3A_613, %broadcast_in_dim3A_39 : vector<16xi1>, vector<16xf32>
        %min3A_684 = arith.minimumf %min3A_611, %select_n3A_683 : vector<16xf32>
        %select_n3A_685 = arith.select %gt3A_676, %add3A_613, %select_n3A_612 : vector<16xi1>, vector<16xf32>
        %add3A_686 = arith.addf %add3A_613, %broadcast_in_dim3A_35 : vector<16xf32>
        scf.yield %add3A_686, %add3A_628, %min3A_633, %add3A_631, %select_n3A_634, %add3A_645, %min3A_650, %add3A_648, %select_n3A_651, %add3A_662, %min3A_667, %add3A_665, %select_n3A_668, %add3A_679, %min3A_684, %add3A_682, %select_n3A_685 : vector<16xf32>, vector<16xf32>, vector<16xf32>, vector<16xf32>, vector<16xf32>, vector<16xf32>, vector<16xf32>, vector<16xf32>, vector<16xf32>, vector<16xf32>, vector<16xf32>, vector<16xf32>, vector<16xf32>, vector<16xf32>, vector<16xf32>, vector<16xf32>, vector<16xf32>
      }
      %scan3A_378 = arith.constant 16 : i32
      scf.yield %scan3A_377#0, %scan3A_371#1, %scan3A_371#2, %scan3A_371#3, %scan3A_371#4, %scan3A_371#5, %scan3A_371#6, %scan3A_371#7, %scan3A_371#8, %scan3A_371#9, %scan3A_371#10, %scan3A_371#11, %scan3A_371#12, %scan3A_371#13, %scan3A_371#14, %scan3A_371#15, %scan3A_371#16, %scan3A_377#1, %scan3A_377#2, %scan3A_377#3, %scan3A_377#4, %scan3A_377#5, %scan3A_377#6, %scan3A_377#7, %scan3A_377#8, %scan3A_377#9, %scan3A_377#10, %scan3A_377#11, %scan3A_377#12, %scan3A_377#13, %scan3A_377#14, %scan3A_377#15, %scan3A_377#16 : vector<16xf32>, vector<16xf32>, vector<16xf32>, vector<16xf32>, vector<16xf32>, vector<16xf32>, vector<16xf32>, vector<16xf32>, vector<16xf32>, vector<16xf32>, vector<16xf32>, vector<16xf32>, vector<16xf32>, vector<16xf32>, vector<16xf32>, vector<16xf32>, vector<16xf32>, vector<16xf32>, vector<16xf32>, vector<16xf32>, vector<16xf32>, vector<16xf32>, vector<16xf32>, vector<16xf32>, vector<16xf32>, vector<16xf32>, vector<16xf32>, vector<16xf32>, vector<16xf32>, vector<16xf32>, vector<16xf32>, vector<16xf32>, vector<16xf32>
    }
    %scan3A_62 = arith.constant 8 : i32
    %add3A_63 = arith.addf %scan3A_61#2, %broadcast_in_dim3A_35 : vector<16xf32>
    %gt3A = arith.constant 0.000000e+00 : f32
    %gt3A_64 = vector.broadcast %gt3A : f32 to vector<16xf32>
    %gt3A_65 = arith.cmpf ogt, %scan3A_61#1, %gt3A_64 : vector<16xf32>
    %mul3A_66 = arith.mulf %add3A_63, %add3A_63 : vector<16xf32>
    %select_n3A_67 = arith.select %gt3A_65, %mul3A_66, %broadcast_in_dim3A_33 : vector<16xi1>, vector<16xf32>
    %sub3A_68 = arith.subf %scan3A_61#3, %select_n3A_67 : vector<16xf32>
    %swap3A = arith.constant 0 : i32
    %swap3A_69 = arith.index_cast %swap3A : i32 to index
    %swap3A_70 = arith.constant 0 : index
    %swap3A_71 = tpu.vector_load %arg5[%swap3A_69, %swap3A_70] {strides = array<i32>} : memref<4x128xf32, #tpu.memory_space<vmem>>, vector<1x16xf32>,
    %swap3A_72 = vector.shape_cast %swap3A_71 : vector<1x16xf32> to vector<16xf32>
    %swap3A_73 = vector.shape_cast %scan3A_61#1 : vector<16xf32> to vector<1x16xf32>
    tpu.vector_store %arg5[%swap3A_69, %swap3A_70], %swap3A_73 {strides = array<i32>} : memref<4x128xf32, #tpu.memory_space<vmem>>, vector<1x16xf32>,
    %swap3A_74 = arith.constant 1 : i32
    %swap3A_75 = arith.index_cast %swap3A_74 : i32 to index
    %swap3A_76 = arith.constant 0 : index
    %swap3A_77 = tpu.vector_load %arg5[%swap3A_75, %swap3A_76] {strides = array<i32>} : memref<4x128xf32, #tpu.memory_space<vmem>>, vector<1x16xf32>,
    %swap3A_78 = vector.shape_cast %swap3A_77 : vector<1x16xf32> to vector<16xf32>
    %swap3A_79 = vector.shape_cast %scan3A_61#2 : vector<16xf32> to vector<1x16xf32>
    tpu.vector_store %arg5[%swap3A_75, %swap3A_76], %swap3A_79 {strides = array<i32>} : memref<4x128xf32, #tpu.memory_space<vmem>>, vector<1x16xf32>,
    %swap3A_80 = arith.constant 2 : i32
    %swap3A_81 = arith.index_cast %swap3A_80 : i32 to index
    %swap3A_82 = arith.constant 0 : index
    %swap3A_83 = tpu.vector_load %arg5[%swap3A_81, %swap3A_82] {strides = array<i32>} : memref<4x128xf32, #tpu.memory_space<vmem>>, vector<1x16xf32>,
    %swap3A_84 = vector.shape_cast %swap3A_83 : vector<1x16xf32> to vector<16xf32>
    %swap3A_85 = vector.shape_cast %scan3A_61#4 : vector<16xf32> to vector<1x16xf32>
    tpu.vector_store %arg5[%swap3A_81, %swap3A_82], %swap3A_85 {strides = array<i32>} : memref<4x128xf32, #tpu.memory_space<vmem>>, vector<1x16xf32>,
    %swap3A_86 = arith.constant 3 : i32
    %swap3A_87 = arith.index_cast %swap3A_86 : i32 to index
    %swap3A_88 = arith.constant 0 : index
    %swap3A_89 = tpu.vector_load %arg5[%swap3A_87, %swap3A_88] {strides = array<i32>} : memref<4x128xf32, #tpu.memory_space<vmem>>, vector<1x16xf32>,
    %swap3A_90 = vector.shape_cast %swap3A_89 : vector<1x16xf32> to vector<16xf32>
    %swap3A_91 = vector.shape_cast %sub3A_68 : vector<16xf32> to vector<1x16xf32>
    tpu.vector_store %arg5[%swap3A_87, %swap3A_88], %swap3A_91 {strides = array<i32>} : memref<4x128xf32, #tpu.memory_space<vmem>>, vector<1x16xf32>,
    %add3A_92 = arith.addf %scan3A_61#6, %broadcast_in_dim3A_35 : vector<16xf32>
    %gt3A_93 = arith.constant 0.000000e+00 : f32
    %gt3A_94 = vector.broadcast %gt3A_93 : f32 to vector<16xf32>
    %gt3A_95 = arith.cmpf ogt, %scan3A_61#5, %gt3A_94 : vector<16xf32>
    %mul3A_96 = arith.mulf %add3A_92, %add3A_92 : vector<16xf32>
    %select_n3A_97 = arith.select %gt3A_95, %mul3A_96, %broadcast_in_dim3A_33 : vector<16xi1>, vector<16xf32>
    %sub3A_98 = arith.subf %scan3A_61#7, %select_n3A_97 : vector<16xf32>
    %swap3A_99 = arith.constant 0 : i32
    %swap3A_100 = arith.index_cast %swap3A_99 : i32 to index
    %swap3A_101 = arith.constant 16 : index
    %swap3A_102 = tpu.vector_load %arg5[%swap3A_100, %swap3A_101] {strides = array<i32>} : memref<4x128xf32, #tpu.memory_space<vmem>>, vector<1x16xf32>,
    %swap3A_103 = vector.shape_cast %swap3A_102 : vector<1x16xf32> to vector<16xf32>
    %swap3A_104 = vector.shape_cast %scan3A_61#5 : vector<16xf32> to vector<1x16xf32>
    tpu.vector_store %arg5[%swap3A_100, %swap3A_101], %swap3A_104 {strides = array<i32>} : memref<4x128xf32, #tpu.memory_space<vmem>>, vector<1x16xf32>,
    %swap3A_105 = arith.constant 1 : i32
    %swap3A_106 = arith.index_cast %swap3A_105 : i32 to index
    %swap3A_107 = arith.constant 16 : index
    %swap3A_108 = tpu.vector_load %arg5[%swap3A_106, %swap3A_107] {strides = array<i32>} : memref<4x128xf32, #tpu.memory_space<vmem>>, vector<1x16xf32>,
    %swap3A_109 = vector.shape_cast %swap3A_108 : vector<1x16xf32> to vector<16xf32>
    %swap3A_110 = vector.shape_cast %scan3A_61#6 : vector<16xf32> to vector<1x16xf32>
    tpu.vector_store %arg5[%swap3A_106, %swap3A_107], %swap3A_110 {strides = array<i32>} : memref<4x128xf32, #tpu.memory_space<vmem>>, vector<1x16xf32>,
    %swap3A_111 = arith.constant 2 : i32
    %swap3A_112 = arith.index_cast %swap3A_111 : i32 to index
    %swap3A_113 = arith.constant 16 : index
    %swap3A_114 = tpu.vector_load %arg5[%swap3A_112, %swap3A_113] {strides = array<i32>} : memref<4x128xf32, #tpu.memory_space<vmem>>, vector<1x16xf32>,
    %swap3A_115 = vector.shape_cast %swap3A_114 : vector<1x16xf32> to vector<16xf32>
    %swap3A_116 = vector.shape_cast %scan3A_61#8 : vector<16xf32> to vector<1x16xf32>
    tpu.vector_store %arg5[%swap3A_112, %swap3A_113], %swap3A_116 {strides = array<i32>} : memref<4x128xf32, #tpu.memory_space<vmem>>, vector<1x16xf32>,
    %swap3A_117 = arith.constant 3 : i32
    %swap3A_118 = arith.index_cast %swap3A_117 : i32 to index
    %swap3A_119 = arith.constant 16 : index
    %swap3A_120 = tpu.vector_load %arg5[%swap3A_118, %swap3A_119] {strides = array<i32>} : memref<4x128xf32, #tpu.memory_space<vmem>>, vector<1x16xf32>,
    %swap3A_121 = vector.shape_cast %swap3A_120 : vector<1x16xf32> to vector<16xf32>
    %swap3A_122 = vector.shape_cast %sub3A_98 : vector<16xf32> to vector<1x16xf32>
    tpu.vector_store %arg5[%swap3A_118, %swap3A_119], %swap3A_122 {strides = array<i32>} : memref<4x128xf32, #tpu.memory_space<vmem>>, vector<1x16xf32>,
    %add3A_123 = arith.addf %scan3A_61#10, %broadcast_in_dim3A_35 : vector<16xf32>
    %gt3A_124 = arith.constant 0.000000e+00 : f32
    %gt3A_125 = vector.broadcast %gt3A_124 : f32 to vector<16xf32>
    %gt3A_126 = arith.cmpf ogt, %scan3A_61#9, %gt3A_125 : vector<16xf32>
    %mul3A_127 = arith.mulf %add3A_123, %add3A_123 : vector<16xf32>
    %select_n3A_128 = arith.select %gt3A_126, %mul3A_127, %broadcast_in_dim3A_33 : vector<16xi1>, vector<16xf32>
    %sub3A_129 = arith.subf %scan3A_61#11, %select_n3A_128 : vector<16xf32>
    %swap3A_130 = arith.constant 0 : i32
    %swap3A_131 = arith.index_cast %swap3A_130 : i32 to index
    %swap3A_132 = arith.constant 32 : index
    %swap3A_133 = tpu.vector_load %arg5[%swap3A_131, %swap3A_132] {strides = array<i32>} : memref<4x128xf32, #tpu.memory_space<vmem>>, vector<1x16xf32>,
    %swap3A_134 = vector.shape_cast %swap3A_133 : vector<1x16xf32> to vector<16xf32>
    %swap3A_135 = vector.shape_cast %scan3A_61#9 : vector<16xf32> to vector<1x16xf32>
    tpu.vector_store %arg5[%swap3A_131, %swap3A_132], %swap3A_135 {strides = array<i32>} : memref<4x128xf32, #tpu.memory_space<vmem>>, vector<1x16xf32>,
    %swap3A_136 = arith.constant 1 : i32
    %swap3A_137 = arith.index_cast %swap3A_136 : i32 to index
    %swap3A_138 = arith.constant 32 : index
    %swap3A_139 = tpu.vector_load %arg5[%swap3A_137, %swap3A_138] {strides = array<i32>} : memref<4x128xf32, #tpu.memory_space<vmem>>, vector<1x16xf32>,
    %swap3A_140 = vector.shape_cast %swap3A_139 : vector<1x16xf32> to vector<16xf32>
    %swap3A_141 = vector.shape_cast %scan3A_61#10 : vector<16xf32> to vector<1x16xf32>
    tpu.vector_store %arg5[%swap3A_137, %swap3A_138], %swap3A_141 {strides = array<i32>} : memref<4x128xf32, #tpu.memory_space<vmem>>, vector<1x16xf32>,
    %swap3A_142 = arith.constant 2 : i32
    %swap3A_143 = arith.index_cast %swap3A_142 : i32 to index
    %swap3A_144 = arith.constant 32 : index
    %swap3A_145 = tpu.vector_load %arg5[%swap3A_143, %swap3A_144] {strides = array<i32>} : memref<4x128xf32, #tpu.memory_space<vmem>>, vector<1x16xf32>,
    %swap3A_146 = vector.shape_cast %swap3A_145 : vector<1x16xf32> to vector<16xf32>
    %swap3A_147 = vector.shape_cast %scan3A_61#12 : vector<16xf32> to vector<1x16xf32>
    tpu.vector_store %arg5[%swap3A_143, %swap3A_144], %swap3A_147 {strides = array<i32>} : memref<4x128xf32, #tpu.memory_space<vmem>>, vector<1x16xf32>,
    %swap3A_148 = arith.constant 3 : i32
    %swap3A_149 = arith.index_cast %swap3A_148 : i32 to index
    %swap3A_150 = arith.constant 32 : index
    %swap3A_151 = tpu.vector_load %arg5[%swap3A_149, %swap3A_150] {strides = array<i32>} : memref<4x128xf32, #tpu.memory_space<vmem>>, vector<1x16xf32>,
    %swap3A_152 = vector.shape_cast %swap3A_151 : vector<1x16xf32> to vector<16xf32>
    %swap3A_153 = vector.shape_cast %sub3A_129 : vector<16xf32> to vector<1x16xf32>
    tpu.vector_store %arg5[%swap3A_149, %swap3A_150], %swap3A_153 {strides = array<i32>} : memref<4x128xf32, #tpu.memory_space<vmem>>, vector<1x16xf32>,
    %add3A_154 = arith.addf %scan3A_61#14, %broadcast_in_dim3A_35 : vector<16xf32>
    %gt3A_155 = arith.constant 0.000000e+00 : f32
    %gt3A_156 = vector.broadcast %gt3A_155 : f32 to vector<16xf32>
    %gt3A_157 = arith.cmpf ogt, %scan3A_61#13, %gt3A_156 : vector<16xf32>
    %mul3A_158 = arith.mulf %add3A_154, %add3A_154 : vector<16xf32>
    %select_n3A_159 = arith.select %gt3A_157, %mul3A_158, %broadcast_in_dim3A_33 : vector<16xi1>, vector<16xf32>
    %sub3A_160 = arith.subf %scan3A_61#15, %select_n3A_159 : vector<16xf32>
    %swap3A_161 = arith.constant 0 : i32
    %swap3A_162 = arith.index_cast %swap3A_161 : i32 to index
    %swap3A_163 = arith.constant 48 : index
    %swap3A_164 = tpu.vector_load %arg5[%swap3A_162, %swap3A_163] {strides = array<i32>} : memref<4x128xf32, #tpu.memory_space<vmem>>, vector<1x16xf32>,
    %swap3A_165 = vector.shape_cast %swap3A_164 : vector<1x16xf32> to vector<16xf32>
    %swap3A_166 = vector.shape_cast %scan3A_61#13 : vector<16xf32> to vector<1x16xf32>
    tpu.vector_store %arg5[%swap3A_162, %swap3A_163], %swap3A_166 {strides = array<i32>} : memref<4x128xf32, #tpu.memory_space<vmem>>, vector<1x16xf32>,
    %swap3A_167 = arith.constant 1 : i32
    %swap3A_168 = arith.index_cast %swap3A_167 : i32 to index
    %swap3A_169 = arith.constant 48 : index
    %swap3A_170 = tpu.vector_load %arg5[%swap3A_168, %swap3A_169] {strides = array<i32>} : memref<4x128xf32, #tpu.memory_space<vmem>>, vector<1x16xf32>,
    %swap3A_171 = vector.shape_cast %swap3A_170 : vector<1x16xf32> to vector<16xf32>
    %swap3A_172 = vector.shape_cast %scan3A_61#14 : vector<16xf32> to vector<1x16xf32>
    tpu.vector_store %arg5[%swap3A_168, %swap3A_169], %swap3A_172 {strides = array<i32>} : memref<4x128xf32, #tpu.memory_space<vmem>>, vector<1x16xf32>,
    %swap3A_173 = arith.constant 2 : i32
    %swap3A_174 = arith.index_cast %swap3A_173 : i32 to index
    %swap3A_175 = arith.constant 48 : index
    %swap3A_176 = tpu.vector_load %arg5[%swap3A_174, %swap3A_175] {strides = array<i32>} : memref<4x128xf32, #tpu.memory_space<vmem>>, vector<1x16xf32>,
    %swap3A_177 = vector.shape_cast %swap3A_176 : vector<1x16xf32> to vector<16xf32>
    %swap3A_178 = vector.shape_cast %scan3A_61#16 : vector<16xf32> to vector<1x16xf32>
    tpu.vector_store %arg5[%swap3A_174, %swap3A_175], %swap3A_178 {strides = array<i32>} : memref<4x128xf32, #tpu.memory_space<vmem>>, vector<1x16xf32>,
    %swap3A_179 = arith.constant 3 : i32
    %swap3A_180 = arith.index_cast %swap3A_179 : i32 to index
    %swap3A_181 = arith.constant 48 : index
    %swap3A_182 = tpu.vector_load %arg5[%swap3A_180, %swap3A_181] {strides = array<i32>} : memref<4x128xf32, #tpu.memory_space<vmem>>, vector<1x16xf32>,
    %swap3A_183 = vector.shape_cast %swap3A_182 : vector<1x16xf32> to vector<16xf32>
    %swap3A_184 = vector.shape_cast %sub3A_160 : vector<16xf32> to vector<1x16xf32>
    tpu.vector_store %arg5[%swap3A_180, %swap3A_181], %swap3A_184 {strides = array<i32>} : memref<4x128xf32, #tpu.memory_space<vmem>>, vector<1x16xf32>,
    %add3A_185 = arith.addf %scan3A_61#18, %broadcast_in_dim3A_35 : vector<16xf32>
    %gt3A_186 = arith.constant 0.000000e+00 : f32
    %gt3A_187 = vector.broadcast %gt3A_186 : f32 to vector<16xf32>
    %gt3A_188 = arith.cmpf ogt, %scan3A_61#17, %gt3A_187 : vector<16xf32>
    %mul3A_189 = arith.mulf %add3A_185, %add3A_185 : vector<16xf32>
    %select_n3A_190 = arith.select %gt3A_188, %mul3A_189, %broadcast_in_dim3A_33 : vector<16xi1>, vector<16xf32>
    %sub3A_191 = arith.subf %scan3A_61#19, %select_n3A_190 : vector<16xf32>
    %swap3A_192 = arith.constant 0 : i32
    %swap3A_193 = arith.index_cast %swap3A_192 : i32 to index
    %swap3A_194 = arith.constant 64 : index
    %swap3A_195 = tpu.vector_load %arg5[%swap3A_193, %swap3A_194] {strides = array<i32>} : memref<4x128xf32, #tpu.memory_space<vmem>>, vector<1x16xf32>,
    %swap3A_196 = vector.shape_cast %swap3A_195 : vector<1x16xf32> to vector<16xf32>
    %swap3A_197 = vector.shape_cast %scan3A_61#17 : vector<16xf32> to vector<1x16xf32>
    tpu.vector_store %arg5[%swap3A_193, %swap3A_194], %swap3A_197 {strides = array<i32>} : memref<4x128xf32, #tpu.memory_space<vmem>>, vector<1x16xf32>,
    %swap3A_198 = arith.constant 1 : i32
    %swap3A_199 = arith.index_cast %swap3A_198 : i32 to index
    %swap3A_200 = arith.constant 64 : index
    %swap3A_201 = tpu.vector_load %arg5[%swap3A_199, %swap3A_200] {strides = array<i32>} : memref<4x128xf32, #tpu.memory_space<vmem>>, vector<1x16xf32>,
    %swap3A_202 = vector.shape_cast %swap3A_201 : vector<1x16xf32> to vector<16xf32>
    %swap3A_203 = vector.shape_cast %scan3A_61#18 : vector<16xf32> to vector<1x16xf32>
    tpu.vector_store %arg5[%swap3A_199, %swap3A_200], %swap3A_203 {strides = array<i32>} : memref<4x128xf32, #tpu.memory_space<vmem>>, vector<1x16xf32>,
    %swap3A_204 = arith.constant 2 : i32
    %swap3A_205 = arith.index_cast %swap3A_204 : i32 to index
    %swap3A_206 = arith.constant 64 : index
    %swap3A_207 = tpu.vector_load %arg5[%swap3A_205, %swap3A_206] {strides = array<i32>} : memref<4x128xf32, #tpu.memory_space<vmem>>, vector<1x16xf32>,
    %swap3A_208 = vector.shape_cast %swap3A_207 : vector<1x16xf32> to vector<16xf32>
    %swap3A_209 = vector.shape_cast %scan3A_61#20 : vector<16xf32> to vector<1x16xf32>
    tpu.vector_store %arg5[%swap3A_205, %swap3A_206], %swap3A_209 {strides = array<i32>} : memref<4x128xf32, #tpu.memory_space<vmem>>, vector<1x16xf32>,
    %swap3A_210 = arith.constant 3 : i32
    %swap3A_211 = arith.index_cast %swap3A_210 : i32 to index
    %swap3A_212 = arith.constant 64 : index
    %swap3A_213 = tpu.vector_load %arg5[%swap3A_211, %swap3A_212] {strides = array<i32>} : memref<4x128xf32, #tpu.memory_space<vmem>>, vector<1x16xf32>,
    %swap3A_214 = vector.shape_cast %swap3A_213 : vector<1x16xf32> to vector<16xf32>
    %swap3A_215 = vector.shape_cast %sub3A_191 : vector<16xf32> to vector<1x16xf32>
    tpu.vector_store %arg5[%swap3A_211, %swap3A_212], %swap3A_215 {strides = array<i32>} : memref<4x128xf32, #tpu.memory_space<vmem>>, vector<1x16xf32>,
    %add3A_216 = arith.addf %scan3A_61#22, %broadcast_in_dim3A_35 : vector<16xf32>
    %gt3A_217 = arith.constant 0.000000e+00 : f32
    %gt3A_218 = vector.broadcast %gt3A_217 : f32 to vector<16xf32>
    %gt3A_219 = arith.cmpf ogt, %scan3A_61#21, %gt3A_218 : vector<16xf32>
    %mul3A_220 = arith.mulf %add3A_216, %add3A_216 : vector<16xf32>
    %select_n3A_221 = arith.select %gt3A_219, %mul3A_220, %broadcast_in_dim3A_33 : vector<16xi1>, vector<16xf32>
    %sub3A_222 = arith.subf %scan3A_61#23, %select_n3A_221 : vector<16xf32>
    %swap3A_223 = arith.constant 0 : i32
    %swap3A_224 = arith.index_cast %swap3A_223 : i32 to index
    %swap3A_225 = arith.constant 80 : index
    %swap3A_226 = tpu.vector_load %arg5[%swap3A_224, %swap3A_225] {strides = array<i32>} : memref<4x128xf32, #tpu.memory_space<vmem>>, vector<1x16xf32>,
    %swap3A_227 = vector.shape_cast %swap3A_226 : vector<1x16xf32> to vector<16xf32>
    %swap3A_228 = vector.shape_cast %scan3A_61#21 : vector<16xf32> to vector<1x16xf32>
    tpu.vector_store %arg5[%swap3A_224, %swap3A_225], %swap3A_228 {strides = array<i32>} : memref<4x128xf32, #tpu.memory_space<vmem>>, vector<1x16xf32>,
    %swap3A_229 = arith.constant 1 : i32
    %swap3A_230 = arith.index_cast %swap3A_229 : i32 to index
    %swap3A_231 = arith.constant 80 : index
    %swap3A_232 = tpu.vector_load %arg5[%swap3A_230, %swap3A_231] {strides = array<i32>} : memref<4x128xf32, #tpu.memory_space<vmem>>, vector<1x16xf32>,
    %swap3A_233 = vector.shape_cast %swap3A_232 : vector<1x16xf32> to vector<16xf32>
    %swap3A_234 = vector.shape_cast %scan3A_61#22 : vector<16xf32> to vector<1x16xf32>
    tpu.vector_store %arg5[%swap3A_230, %swap3A_231], %swap3A_234 {strides = array<i32>} : memref<4x128xf32, #tpu.memory_space<vmem>>, vector<1x16xf32>,
    %swap3A_235 = arith.constant 2 : i32
    %swap3A_236 = arith.index_cast %swap3A_235 : i32 to index
    %swap3A_237 = arith.constant 80 : index
    %swap3A_238 = tpu.vector_load %arg5[%swap3A_236, %swap3A_237] {strides = array<i32>} : memref<4x128xf32, #tpu.memory_space<vmem>>, vector<1x16xf32>,
    %swap3A_239 = vector.shape_cast %swap3A_238 : vector<1x16xf32> to vector<16xf32>
    %swap3A_240 = vector.shape_cast %scan3A_61#24 : vector<16xf32> to vector<1x16xf32>
    tpu.vector_store %arg5[%swap3A_236, %swap3A_237], %swap3A_240 {strides = array<i32>} : memref<4x128xf32, #tpu.memory_space<vmem>>, vector<1x16xf32>,
    %swap3A_241 = arith.constant 3 : i32
    %swap3A_242 = arith.index_cast %swap3A_241 : i32 to index
    %swap3A_243 = arith.constant 80 : index
    %swap3A_244 = tpu.vector_load %arg5[%swap3A_242, %swap3A_243] {strides = array<i32>} : memref<4x128xf32, #tpu.memory_space<vmem>>, vector<1x16xf32>,
    %swap3A_245 = vector.shape_cast %swap3A_244 : vector<1x16xf32> to vector<16xf32>
    %swap3A_246 = vector.shape_cast %sub3A_222 : vector<16xf32> to vector<1x16xf32>
    tpu.vector_store %arg5[%swap3A_242, %swap3A_243], %swap3A_246 {strides = array<i32>} : memref<4x128xf32, #tpu.memory_space<vmem>>, vector<1x16xf32>,
    %add3A_247 = arith.addf %scan3A_61#26, %broadcast_in_dim3A_35 : vector<16xf32>
    %gt3A_248 = arith.constant 0.000000e+00 : f32
    %gt3A_249 = vector.broadcast %gt3A_248 : f32 to vector<16xf32>
    %gt3A_250 = arith.cmpf ogt, %scan3A_61#25, %gt3A_249 : vector<16xf32>
    %mul3A_251 = arith.mulf %add3A_247, %add3A_247 : vector<16xf32>
    %select_n3A_252 = arith.select %gt3A_250, %mul3A_251, %broadcast_in_dim3A_33 : vector<16xi1>, vector<16xf32>
    %sub3A_253 = arith.subf %scan3A_61#27, %select_n3A_252 : vector<16xf32>
    %swap3A_254 = arith.constant 0 : i32
    %swap3A_255 = arith.index_cast %swap3A_254 : i32 to index
    %swap3A_256 = arith.constant 96 : index
    %swap3A_257 = tpu.vector_load %arg5[%swap3A_255, %swap3A_256] {strides = array<i32>} : memref<4x128xf32, #tpu.memory_space<vmem>>, vector<1x16xf32>,
    %swap3A_258 = vector.shape_cast %swap3A_257 : vector<1x16xf32> to vector<16xf32>
    %swap3A_259 = vector.shape_cast %scan3A_61#25 : vector<16xf32> to vector<1x16xf32>
    tpu.vector_store %arg5[%swap3A_255, %swap3A_256], %swap3A_259 {strides = array<i32>} : memref<4x128xf32, #tpu.memory_space<vmem>>, vector<1x16xf32>,
    %swap3A_260 = arith.constant 1 : i32
    %swap3A_261 = arith.index_cast %swap3A_260 : i32 to index
    %swap3A_262 = arith.constant 96 : index
    %swap3A_263 = tpu.vector_load %arg5[%swap3A_261, %swap3A_262] {strides = array<i32>} : memref<4x128xf32, #tpu.memory_space<vmem>>, vector<1x16xf32>,
    %swap3A_264 = vector.shape_cast %swap3A_263 : vector<1x16xf32> to vector<16xf32>
    %swap3A_265 = vector.shape_cast %scan3A_61#26 : vector<16xf32> to vector<1x16xf32>
    tpu.vector_store %arg5[%swap3A_261, %swap3A_262], %swap3A_265 {strides = array<i32>} : memref<4x128xf32, #tpu.memory_space<vmem>>, vector<1x16xf32>,
    %swap3A_266 = arith.constant 2 : i32
    %swap3A_267 = arith.index_cast %swap3A_266 : i32 to index
    %swap3A_268 = arith.constant 96 : index
    %swap3A_269 = tpu.vector_load %arg5[%swap3A_267, %swap3A_268] {strides = array<i32>} : memref<4x128xf32, #tpu.memory_space<vmem>>, vector<1x16xf32>,
    %swap3A_270 = vector.shape_cast %swap3A_269 : vector<1x16xf32> to vector<16xf32>
    %swap3A_271 = vector.shape_cast %scan3A_61#28 : vector<16xf32> to vector<1x16xf32>
    tpu.vector_store %arg5[%swap3A_267, %swap3A_268], %swap3A_271 {strides = array<i32>} : memref<4x128xf32, #tpu.memory_space<vmem>>, vector<1x16xf32>,
    %swap3A_272 = arith.constant 3 : i32
    %swap3A_273 = arith.index_cast %swap3A_272 : i32 to index
    %swap3A_274 = arith.constant 96 : index
    %swap3A_275 = tpu.vector_load %arg5[%swap3A_273, %swap3A_274] {strides = array<i32>} : memref<4x128xf32, #tpu.memory_space<vmem>>, vector<1x16xf32>,
    %swap3A_276 = vector.shape_cast %swap3A_275 : vector<1x16xf32> to vector<16xf32>
    %swap3A_277 = vector.shape_cast %sub3A_253 : vector<16xf32> to vector<1x16xf32>
    tpu.vector_store %arg5[%swap3A_273, %swap3A_274], %swap3A_277 {strides = array<i32>} : memref<4x128xf32, #tpu.memory_space<vmem>>, vector<1x16xf32>,
    %add3A_278 = arith.addf %scan3A_61#30, %broadcast_in_dim3A_35 : vector<16xf32>
    %gt3A_279 = arith.constant 0.000000e+00 : f32
    %gt3A_280 = vector.broadcast %gt3A_279 : f32 to vector<16xf32>
    %gt3A_281 = arith.cmpf ogt, %scan3A_61#29, %gt3A_280 : vector<16xf32>
    %mul3A_282 = arith.mulf %add3A_278, %add3A_278 : vector<16xf32>
    %select_n3A_283 = arith.select %gt3A_281, %mul3A_282, %broadcast_in_dim3A_33 : vector<16xi1>, vector<16xf32>
    %sub3A_284 = arith.subf %scan3A_61#31, %select_n3A_283 : vector<16xf32>
    %swap3A_285 = arith.constant 0 : i32
    %swap3A_286 = arith.index_cast %swap3A_285 : i32 to index
    %swap3A_287 = arith.constant 112 : index
    %swap3A_288 = tpu.vector_load %arg5[%swap3A_286, %swap3A_287] {strides = array<i32>} : memref<4x128xf32, #tpu.memory_space<vmem>>, vector<1x16xf32>,
    %swap3A_289 = vector.shape_cast %swap3A_288 : vector<1x16xf32> to vector<16xf32>
    %swap3A_290 = vector.shape_cast %scan3A_61#29 : vector<16xf32> to vector<1x16xf32>
    tpu.vector_store %arg5[%swap3A_286, %swap3A_287], %swap3A_290 {strides = array<i32>} : memref<4x128xf32, #tpu.memory_space<vmem>>, vector<1x16xf32>,
    %swap3A_291 = arith.constant 1 : i32
    %swap3A_292 = arith.index_cast %swap3A_291 : i32 to index
    %swap3A_293 = arith.constant 112 : index
    %swap3A_294 = tpu.vector_load %arg5[%swap3A_292, %swap3A_293] {strides = array<i32>} : memref<4x128xf32, #tpu.memory_space<vmem>>, vector<1x16xf32>,
    %swap3A_295 = vector.shape_cast %swap3A_294 : vector<1x16xf32> to vector<16xf32>
    %swap3A_296 = vector.shape_cast %scan3A_61#30 : vector<16xf32> to vector<1x16xf32>
    tpu.vector_store %arg5[%swap3A_292, %swap3A_293], %swap3A_296 {strides = array<i32>} : memref<4x128xf32, #tpu.memory_space<vmem>>, vector<1x16xf32>,
    %swap3A_297 = arith.constant 2 : i32
    %swap3A_298 = arith.index_cast %swap3A_297 : i32 to index
    %swap3A_299 = arith.constant 112 : index
    %swap3A_300 = tpu.vector_load %arg5[%swap3A_298, %swap3A_299] {strides = array<i32>} : memref<4x128xf32, #tpu.memory_space<vmem>>, vector<1x16xf32>,
    %swap3A_301 = vector.shape_cast %swap3A_300 : vector<1x16xf32> to vector<16xf32>
    %swap3A_302 = vector.shape_cast %scan3A_61#32 : vector<16xf32> to vector<1x16xf32>
    tpu.vector_store %arg5[%swap3A_298, %swap3A_299], %swap3A_302 {strides = array<i32>} : memref<4x128xf32, #tpu.memory_space<vmem>>, vector<1x16xf32>,
    %swap3A_303 = arith.constant 3 : i32
    %swap3A_304 = arith.index_cast %swap3A_303 : i32 to index
    %swap3A_305 = arith.constant 112 : index
    %swap3A_306 = tpu.vector_load %arg5[%swap3A_304, %swap3A_305] {strides = array<i32>} : memref<4x128xf32, #tpu.memory_space<vmem>>, vector<1x16xf32>,
    %swap3A_307 = vector.shape_cast %swap3A_306 : vector<1x16xf32> to vector<16xf32>
    %swap3A_308 = vector.shape_cast %sub3A_284 : vector<16xf32> to vector<1x16xf32>
    tpu.vector_store %arg5[%swap3A_304, %swap3A_305], %swap3A_308 {strides = array<i32>} : memref<4x128xf32, #tpu.memory_space<vmem>>, vector<1x16xf32>,
    "tpu.region"() ({
      %run_scoped3A = tpu.sem_alloc : memref<!tpu.dma_semaphore, #tpu.memory_space<semaphore_mem>>
      %dma_start3A_309 = arith.constant 0 : i32
      %dma_start3A_310 = arith.constant 0 : i32
      %dma_start3A_311 = tpu.memref_slice %arg3[%add3A, %dma_start3A_309, %dma_start3A_310] : memref<32x4x128xf32, #tpu.memory_space<hbm>> -> memref<1x4x128xf32, #tpu.memory_space<hbm>>
      %dma_start3A_312 = tpu.memref_squeeze %dma_start3A_311 : memref<1x4x128xf32, #tpu.memory_space<hbm>> -> memref<4x128xf32, #tpu.memory_space<hbm>>
      %dma_start3A_313 = arith.constant 0 : i32
      %dma_start3A_314 = arith.constant 0 : i32
      %dma_start3A_315 = tpu.memref_slice %arg3[%add3A, %dma_start3A_313, %dma_start3A_314] : memref<32x4x128xf32, #tpu.memory_space<hbm>> -> memref<1x4x128xf32, #tpu.memory_space<hbm>>
      %dma_start3A_316 = tpu.memref_squeeze %dma_start3A_315 : memref<1x4x128xf32, #tpu.memory_space<hbm>> -> memref<4x128xf32, #tpu.memory_space<hbm>>
      tpu.enqueue_dma source(%arg5 : memref<4x128xf32, #tpu.memory_space<vmem>>) target(%dma_start3A_316 : memref<4x128xf32, #tpu.memory_space<hbm>>) target_semaphore(%run_scoped3A : memref<!tpu.dma_semaphore, #tpu.memory_space<semaphore_mem>>)
      %dma_wait3A = arith.constant 0 : i32
      %dma_wait3A_317 = arith.constant 0 : i32
      %dma_wait3A_318 = tpu.memref_slice %arg3[%add3A, %dma_wait3A, %dma_wait3A_317] : memref<32x4x128xf32, #tpu.memory_space<hbm>> -> memref<1x4x128xf32, #tpu.memory_space<hbm>>
      %dma_wait3A_319 = tpu.memref_squeeze %dma_wait3A_318 : memref<1x4x128xf32, #tpu.memory_space<hbm>> -> memref<4x128xf32, #tpu.memory_space<hbm>>
      %dma_wait3A_320 = arith.constant 0 : i32
      %dma_wait3A_321 = arith.constant 0 : i32
      %dma_wait3A_322 = tpu.memref_slice %arg3[%add3A, %dma_wait3A_320, %dma_wait3A_321] : memref<32x4x128xf32, #tpu.memory_space<hbm>> -> memref<1x4x128xf32, #tpu.memory_space<hbm>>
      %dma_wait3A_323 = tpu.memref_squeeze %dma_wait3A_322 : memref<1x4x128xf32, #tpu.memory_space<hbm>> -> memref<4x128xf32, #tpu.memory_space<hbm>>
      tpu.wait_dma2 semaphore(%run_scoped3A : memref<!tpu.dma_semaphore, #tpu.memory_space<semaphore_mem>>) src(%arg5 : memref<4x128xf32, #tpu.memory_space<vmem>>) dst(%dma_wait3A_323 : memref<4x128xf32, #tpu.memory_space<hbm>>)
      tpu.yield
    }) : () -> ()
    return
  }
}

module attributes {stable_mosaic.version = 14 : i64} {
  func.func @_tc_finalize_body(%arg0: memref<8x4x4x128xf32, #tpu.memory_space<vmem>>, %arg1: memref<1x128xf32, #tpu.memory_space<vmem>>, %arg2: memref<1x1xf32, #tpu.memory_space<vmem>>) attributes {dimension_semantics = [], scalar_prefetch = 0 : i64, scratch_operands = 0 : i64, tpu.core_type = #tpu.core_type<tc>} {
    %get3A = arith.constant 0 : index
    %get3A_0 = arith.constant 0 : index
    %get3A_1 = arith.constant 0 : index
    %get3A_2 = arith.constant 0 : index
    %get3A_3 = vector.load %arg0[%get3A, %get3A_0, %get3A_1, %get3A_2] : memref<8x4x4x128xf32, #tpu.memory_space<vmem>>, vector<8x1x1x128xf32>
    %get3A_4 = vector.shape_cast %get3A_3 : vector<8x1x1x128xf32> to vector<8x128xf32>
    %get3A_5 = arith.constant 0 : index
    %get3A_6 = arith.constant 0 : index
    %get3A_7 = arith.constant 1 : index
    %get3A_8 = arith.constant 0 : index
    %get3A_9 = vector.load %arg0[%get3A_5, %get3A_6, %get3A_7, %get3A_8] : memref<8x4x4x128xf32, #tpu.memory_space<vmem>>, vector<8x1x1x128xf32>
    %get3A_10 = vector.shape_cast %get3A_9 : vector<8x1x1x128xf32> to vector<8x128xf32>
    %get3A_11 = arith.constant 0 : index
    %get3A_12 = arith.constant 0 : index
    %get3A_13 = arith.constant 2 : index
    %get3A_14 = arith.constant 0 : index
    %get3A_15 = vector.load %arg0[%get3A_11, %get3A_12, %get3A_13, %get3A_14] : memref<8x4x4x128xf32, #tpu.memory_space<vmem>>, vector<8x1x1x128xf32>
    %get3A_16 = vector.shape_cast %get3A_15 : vector<8x1x1x128xf32> to vector<8x128xf32>
    %get3A_17 = arith.constant 0 : index
    %get3A_18 = arith.constant 0 : index
    %get3A_19 = arith.constant 3 : index
    %get3A_20 = arith.constant 0 : index
    %get3A_21 = vector.load %arg0[%get3A_17, %get3A_18, %get3A_19, %get3A_20] : memref<8x4x4x128xf32, #tpu.memory_space<vmem>>, vector<8x1x1x128xf32>
    %get3A_22 = vector.shape_cast %get3A_21 : vector<8x1x1x128xf32> to vector<8x128xf32>
    %get3A_23 = arith.constant 0 : index
    %get3A_24 = arith.constant 1 : index
    %get3A_25 = arith.constant 0 : index
    %get3A_26 = arith.constant 0 : index
    %get3A_27 = vector.load %arg0[%get3A_23, %get3A_24, %get3A_25, %get3A_26] : memref<8x4x4x128xf32, #tpu.memory_space<vmem>>, vector<8x1x1x128xf32>
    %get3A_28 = vector.shape_cast %get3A_27 : vector<8x1x1x128xf32> to vector<8x128xf32>
    %get3A_29 = arith.constant 0 : index
    %get3A_30 = arith.constant 1 : index
    %get3A_31 = arith.constant 1 : index
    %get3A_32 = arith.constant 0 : index
    %get3A_33 = vector.load %arg0[%get3A_29, %get3A_30, %get3A_31, %get3A_32] : memref<8x4x4x128xf32, #tpu.memory_space<vmem>>, vector<8x1x1x128xf32>
    %get3A_34 = vector.shape_cast %get3A_33 : vector<8x1x1x128xf32> to vector<8x128xf32>
    %get3A_35 = arith.constant 0 : index
    %get3A_36 = arith.constant 1 : index
    %get3A_37 = arith.constant 2 : index
    %get3A_38 = arith.constant 0 : index
    %get3A_39 = vector.load %arg0[%get3A_35, %get3A_36, %get3A_37, %get3A_38] : memref<8x4x4x128xf32, #tpu.memory_space<vmem>>, vector<8x1x1x128xf32>
    %get3A_40 = vector.shape_cast %get3A_39 : vector<8x1x1x128xf32> to vector<8x128xf32>
    %get3A_41 = arith.constant 0 : index
    %get3A_42 = arith.constant 1 : index
    %get3A_43 = arith.constant 3 : index
    %get3A_44 = arith.constant 0 : index
    %get3A_45 = vector.load %arg0[%get3A_41, %get3A_42, %get3A_43, %get3A_44] : memref<8x4x4x128xf32, #tpu.memory_space<vmem>>, vector<8x1x1x128xf32>
    %get3A_46 = vector.shape_cast %get3A_45 : vector<8x1x1x128xf32> to vector<8x128xf32>
    %gt3A = arith.constant 0.000000e+00 : f32
    %gt3A_47 = vector.broadcast %gt3A : f32 to vector<8x128xf32>
    %gt3A_48 = arith.cmpf ogt, %get3A_4, %gt3A_47 : vector<8x128xf32>
    %gt3A_49 = arith.constant 0.000000e+00 : f32
    %gt3A_50 = vector.broadcast %gt3A_49 : f32 to vector<8x128xf32>
    %gt3A_51 = arith.cmpf ogt, %get3A_28, %gt3A_50 : vector<8x128xf32>
    %sub3A = arith.subf %get3A_34, %get3A_16 : vector<8x128xf32>
    %add3A = arith.addf %get3A_22, %get3A_46 : vector<8x128xf32>
    %mul3A = arith.mulf %sub3A, %sub3A : vector<8x128xf32>
    %add3A_52 = arith.addf %add3A, %mul3A : vector<8x128xf32>
    %and3A = arith.andi %gt3A_48, %gt3A_51 : vector<8x128xi1>
    %select_n3A = arith.select %gt3A_48, %get3A_22, %get3A_46 : vector<8x128xi1>, vector<8x128xf32>
    %select_n3A_53 = arith.select %and3A, %add3A_52, %select_n3A : vector<8x128xi1>, vector<8x128xf32>
    %select_n3A_54 = arith.select %gt3A_48, %get3A_10, %get3A_34 : vector<8x128xi1>, vector<8x128xf32>
    %select_n3A_55 = arith.select %gt3A_51, %get3A_40, %get3A_16 : vector<8x128xi1>, vector<8x128xf32>
    %add3A_56 = arith.addf %get3A_4, %get3A_28 : vector<8x128xf32>
    %get3A_57 = arith.constant 0 : index
    %get3A_58 = arith.constant 2 : index
    %get3A_59 = arith.constant 0 : index
    %get3A_60 = arith.constant 0 : index
    %get3A_61 = vector.load %arg0[%get3A_57, %get3A_58, %get3A_59, %get3A_60] : memref<8x4x4x128xf32, #tpu.memory_space<vmem>>, vector<8x1x1x128xf32>
    %get3A_62 = vector.shape_cast %get3A_61 : vector<8x1x1x128xf32> to vector<8x128xf32>
    %get3A_63 = arith.constant 0 : index
    %get3A_64 = arith.constant 2 : index
    %get3A_65 = arith.constant 1 : index
    %get3A_66 = arith.constant 0 : index
    %get3A_67 = vector.load %arg0[%get3A_63, %get3A_64, %get3A_65, %get3A_66] : memref<8x4x4x128xf32, #tpu.memory_space<vmem>>, vector<8x1x1x128xf32>
    %get3A_68 = vector.shape_cast %get3A_67 : vector<8x1x1x128xf32> to vector<8x128xf32>
    %get3A_69 = arith.constant 0 : index
    %get3A_70 = arith.constant 2 : index
    %get3A_71 = arith.constant 2 : index
    %get3A_72 = arith.constant 0 : index
    %get3A_73 = vector.load %arg0[%get3A_69, %get3A_70, %get3A_71, %get3A_72] : memref<8x4x4x128xf32, #tpu.memory_space<vmem>>, vector<8x1x1x128xf32>
    %get3A_74 = vector.shape_cast %get3A_73 : vector<8x1x1x128xf32> to vector<8x128xf32>
    %get3A_75 = arith.constant 0 : index
    %get3A_76 = arith.constant 2 : index
    %get3A_77 = arith.constant 3 : index
    %get3A_78 = arith.constant 0 : index
    %get3A_79 = vector.load %arg0[%get3A_75, %get3A_76, %get3A_77, %get3A_78] : memref<8x4x4x128xf32, #tpu.memory_space<vmem>>, vector<8x1x1x128xf32>
    %get3A_80 = vector.shape_cast %get3A_79 : vector<8x1x1x128xf32> to vector<8x128xf32>
    %gt3A_81 = arith.constant 0.000000e+00 : f32
    %gt3A_82 = vector.broadcast %gt3A_81 : f32 to vector<8x128xf32>
    %gt3A_83 = arith.cmpf ogt, %add3A_56, %gt3A_82 : vector<8x128xf32>
    %gt3A_84 = arith.constant 0.000000e+00 : f32
    %gt3A_85 = vector.broadcast %gt3A_84 : f32 to vector<8x128xf32>
    %gt3A_86 = arith.cmpf ogt, %get3A_62, %gt3A_85 : vector<8x128xf32>
    %sub3A_87 = arith.subf %get3A_68, %select_n3A_55 : vector<8x128xf32>
    %add3A_88 = arith.addf %select_n3A_53, %get3A_80 : vector<8x128xf32>
    %mul3A_89 = arith.mulf %sub3A_87, %sub3A_87 : vector<8x128xf32>
    %add3A_90 = arith.addf %add3A_88, %mul3A_89 : vector<8x128xf32>
    %and3A_91 = arith.andi %gt3A_83, %gt3A_86 : vector<8x128xi1>
    %select_n3A_92 = arith.select %gt3A_83, %select_n3A_53, %get3A_80 : vector<8x128xi1>, vector<8x128xf32>
    %select_n3A_93 = arith.select %and3A_91, %add3A_90, %select_n3A_92 : vector<8x128xi1>, vector<8x128xf32>
    %select_n3A_94 = arith.select %gt3A_83, %select_n3A_54, %get3A_68 : vector<8x128xi1>, vector<8x128xf32>
    %select_n3A_95 = arith.select %gt3A_86, %get3A_74, %select_n3A_55 : vector<8x128xi1>, vector<8x128xf32>
    %add3A_96 = arith.addf %add3A_56, %get3A_62 : vector<8x128xf32>
    %get3A_97 = arith.constant 0 : index
    %get3A_98 = arith.constant 3 : index
    %get3A_99 = arith.constant 0 : index
    %get3A_100 = arith.constant 0 : index
    %get3A_101 = vector.load %arg0[%get3A_97, %get3A_98, %get3A_99, %get3A_100] : memref<8x4x4x128xf32, #tpu.memory_space<vmem>>, vector<8x1x1x128xf32>
    %get3A_102 = vector.shape_cast %get3A_101 : vector<8x1x1x128xf32> to vector<8x128xf32>
    %get3A_103 = arith.constant 0 : index
    %get3A_104 = arith.constant 3 : index
    %get3A_105 = arith.constant 1 : index
    %get3A_106 = arith.constant 0 : index
    %get3A_107 = vector.load %arg0[%get3A_103, %get3A_104, %get3A_105, %get3A_106] : memref<8x4x4x128xf32, #tpu.memory_space<vmem>>, vector<8x1x1x128xf32>
    %get3A_108 = vector.shape_cast %get3A_107 : vector<8x1x1x128xf32> to vector<8x128xf32>
    %get3A_109 = arith.constant 0 : index
    %get3A_110 = arith.constant 3 : index
    %get3A_111 = arith.constant 2 : index
    %get3A_112 = arith.constant 0 : index
    %get3A_113 = vector.load %arg0[%get3A_109, %get3A_110, %get3A_111, %get3A_112] : memref<8x4x4x128xf32, #tpu.memory_space<vmem>>, vector<8x1x1x128xf32>
    %get3A_114 = vector.shape_cast %get3A_113 : vector<8x1x1x128xf32> to vector<8x128xf32>
    %get3A_115 = arith.constant 0 : index
    %get3A_116 = arith.constant 3 : index
    %get3A_117 = arith.constant 3 : index
    %get3A_118 = arith.constant 0 : index
    %get3A_119 = vector.load %arg0[%get3A_115, %get3A_116, %get3A_117, %get3A_118] : memref<8x4x4x128xf32, #tpu.memory_space<vmem>>, vector<8x1x1x128xf32>
    %get3A_120 = vector.shape_cast %get3A_119 : vector<8x1x1x128xf32> to vector<8x128xf32>
    %gt3A_121 = arith.constant 0.000000e+00 : f32
    %gt3A_122 = vector.broadcast %gt3A_121 : f32 to vector<8x128xf32>
    %gt3A_123 = arith.cmpf ogt, %add3A_96, %gt3A_122 : vector<8x128xf32>
    %gt3A_124 = arith.constant 0.000000e+00 : f32
    %gt3A_125 = vector.broadcast %gt3A_124 : f32 to vector<8x128xf32>
    %gt3A_126 = arith.cmpf ogt, %get3A_102, %gt3A_125 : vector<8x128xf32>
    %sub3A_127 = arith.subf %get3A_108, %select_n3A_95 : vector<8x128xf32>
    %add3A_128 = arith.addf %select_n3A_93, %get3A_120 : vector<8x128xf32>
    %mul3A_129 = arith.mulf %sub3A_127, %sub3A_127 : vector<8x128xf32>
    %add3A_130 = arith.addf %add3A_128, %mul3A_129 : vector<8x128xf32>
    %and3A_131 = arith.andi %gt3A_123, %gt3A_126 : vector<8x128xi1>
    %select_n3A_132 = arith.select %gt3A_123, %select_n3A_93, %get3A_120 : vector<8x128xi1>, vector<8x128xf32>
    %select_n3A_133 = arith.select %and3A_131, %add3A_130, %select_n3A_132 : vector<8x128xi1>, vector<8x128xf32>
    %select_n3A_134 = arith.select %gt3A_123, %select_n3A_94, %get3A_108 : vector<8x128xi1>, vector<8x128xf32>
    %select_n3A_135 = arith.select %gt3A_126, %get3A_114, %select_n3A_95 : vector<8x128xi1>, vector<8x128xf32>
    %add3A_136 = arith.addf %add3A_96, %get3A_102 : vector<8x128xf32>
    %sub3A_137 = arith.subf %select_n3A_135, %select_n3A_134 : vector<8x128xf32>
    %sub3A_138 = arith.constant 1.000000e+00 : f32
    %sub3A_139 = vector.broadcast %sub3A_138 : f32 to vector<8x128xf32>
    %sub3A_140 = arith.subf %add3A_136, %sub3A_139 : vector<8x128xf32>
    %max3A = arith.constant 1.000000e+00 : f32
    %max3A_141 = vector.broadcast %max3A : f32 to vector<8x128xf32>
    %max3A_142 = arith.maximumf %sub3A_140, %max3A_141 : vector<8x128xf32>
    %div3A = arith.divf %sub3A_137, %max3A_142 : vector<8x128xf32>
    %sub3A_143 = arith.constant 1.000000e+00 : f32
    %sub3A_144 = vector.broadcast %sub3A_143 : f32 to vector<8x128xf32>
    %sub3A_145 = arith.subf %add3A_136, %sub3A_144 : vector<8x128xf32>
    %max3A_146 = arith.constant 0.000000e+00 : f32
    %max3A_147 = vector.broadcast %max3A_146 : f32 to vector<8x128xf32>
    %max3A_148 = arith.maximumf %sub3A_145, %max3A_147 : vector<8x128xf32>
    %mul3A_149 = arith.constant 2.000000e+00 : f32
    %mul3A_150 = vector.broadcast %mul3A_149 : f32 to vector<8x128xf32>
    %mul3A_151 = arith.mulf %mul3A_150, %div3A : vector<8x128xf32>
    %mul3A_152 = arith.mulf %mul3A_151, %sub3A_137 : vector<8x128xf32>
    %sub3A_153 = arith.subf %select_n3A_133, %mul3A_152 : vector<8x128xf32>
    %mul3A_154 = arith.mulf %max3A_148, %div3A : vector<8x128xf32>
    %mul3A_155 = arith.mulf %mul3A_154, %div3A : vector<8x128xf32>
    %add3A_156 = arith.addf %sub3A_153, %mul3A_155 : vector<8x128xf32>
    %max3A_157 = arith.constant 0.000000e+00 : f32
    %max3A_158 = vector.broadcast %max3A_157 : f32 to vector<8x128xf32>
    %max3A_159 = arith.maximumf %add3A_156, %max3A_158 : vector<8x128xf32>
    %sub3A_160 = arith.constant 2.000000e+00 : f32
    %sub3A_161 = vector.broadcast %sub3A_160 : f32 to vector<8x128xf32>
    %sub3A_162 = arith.subf %add3A_136, %sub3A_161 : vector<8x128xf32>
    %max3A_163 = arith.constant 1.000000e+00 : f32
    %max3A_164 = vector.broadcast %max3A_163 : f32 to vector<8x128xf32>
    %max3A_165 = arith.maximumf %sub3A_162, %max3A_164 : vector<8x128xf32>
    %div3A_166 = arith.divf %max3A_159, %max3A_165 : vector<8x128xf32>
    %sqrt3A = math.sqrt %div3A_166 : vector<8x128xf32>
    %gt3A_167 = arith.constant 0.000000e+00 : f32
    %gt3A_168 = vector.broadcast %gt3A_167 : f32 to vector<8x128xf32>
    %gt3A_169 = arith.cmpf ogt, %div3A, %gt3A_168 : vector<8x128xf32>
    %max3A_170 = arith.constant 1.000000e-30 : f32
    %max3A_171 = vector.broadcast %max3A_170 : f32 to vector<8x128xf32>
    %max3A_172 = arith.maximumf %div3A, %max3A_171 : vector<8x128xf32>
    %div3A_173 = arith.divf %sqrt3A, %max3A_172 : vector<8x128xf32>
    %jit3A = arith.constant 1.000000e+01 : f32
    %broadcast_in_dim3A = vector.broadcast %jit3A : f32 to vector<8x128xf32>
    %select_n3A_174 = arith.select %gt3A_169, %div3A_173, %broadcast_in_dim3A : vector<8x128xi1>, vector<8x128xf32>
    %ge3A = arith.constant 3.000000e+00 : f32
    %ge3A_175 = vector.broadcast %ge3A : f32 to vector<8x128xf32>
    %ge3A_176 = arith.cmpf oge, %add3A_136, %ge3A_175 : vector<8x128xf32>
    %jit3A_177 = arith.constant 1.000000e+01 : f32
    %broadcast_in_dim3A_178 = vector.broadcast %jit3A_177 : f32 to vector<8x128xf32>
    %select_n3A_179 = arith.select %ge3A_176, %select_n3A_174, %broadcast_in_dim3A_178 : vector<8x128xi1>, vector<8x128xf32>
    %get3A_180 = arith.constant 0 : index
    %get3A_181 = arith.constant 0 : index
    %get3A_182 = vector.load %arg1[%get3A_180, %get3A_181] : memref<1x128xf32, #tpu.memory_space<vmem>>, vector<1x128xf32>
    %get3A_183 = vector.shape_cast %get3A_182 : vector<1x128xf32> to vector<128xf32>
    %broadcast_in_dim3A_184 = vector.shape_cast %get3A_183 : vector<128xf32> to vector<1x128xf32>
    %sub3A_185 = vector.broadcast %broadcast_in_dim3A_184 : vector<1x128xf32> to vector<8x128xf32>
    %sub3A_186 = arith.subf %select_n3A_179, %sub3A_185 : vector<8x128xf32>
    %mul3A_187 = arith.mulf %sub3A_186, %sub3A_186 : vector<8x128xf32>
    %reduce_sum3A = arith.constant dense<0.000000e+00> : vector<8xf32>
    %reduce_sum3A_188 = vector.multi_reduction <add>, %mul3A_187, %reduce_sum3A [1] : vector<8x128xf32> to vector<8xf32>
    %broadcast_in_dim3A_189 = vector.shape_cast %reduce_sum3A_188 : vector<8xf32> to vector<8x1xf32>
    %reduce_sum3A_190 = arith.constant dense<0.000000e+00> : vector<1xf32>
    %reduce_sum3A_191 = vector.multi_reduction <add>, %broadcast_in_dim3A_189, %reduce_sum3A_190 [0] : vector<8x1xf32> to vector<1xf32>
    %broadcast_in_dim3A_192 = vector.shape_cast %reduce_sum3A_191 : vector<1xf32> to vector<1x1xf32>
    %mul3A_193 = arith.constant 9.765625E-4 : f32
    %mul3A_194 = vector.broadcast %mul3A_193 : f32 to vector<1x1xf32>
    %mul3A_195 = arith.mulf %broadcast_in_dim3A_192, %mul3A_194 : vector<1x1xf32>
    %swap3A = arith.constant 0 : index
    %swap3A_196 = arith.constant 0 : index
    %swap3A_197 = vector.load %arg2[%swap3A, %swap3A_196] : memref<1x1xf32, #tpu.memory_space<vmem>>, vector<1x1xf32>
    tpu.vector_store %arg2[%swap3A, %swap3A_196], %mul3A_195 {strides = array<i32>} : memref<1x1xf32, #tpu.memory_space<vmem>>, vector<1x1xf32>,
    return
  }
}

</mosaic_0001>

<sc_bundles>
// kernel: kernel.4.cloned.1.call-start
scs
__scs_entry_jumppad:
0x0: {  	(pc) =	sbr.rel $0x88, $3  }
0x1: {  	(tag) =	ssettag $0x0;
	lr =	simm.s32 $0x1  }
0x2: {  	[smem:$0x3F9F] =	sst lr;
	_ =	strace $0xD0000000  }
0x3: {  	_ = 	snop  }
0x4: {  	_ = 	snop  }
0x5: {  	_ = 	snop  }
0x6: {  	_ = 	snop  }
0x7: {  	_ = 	snop  }
__scs_overlays_trampoline_lowered:
0x8: {  	[smem:$0x3FAE] =	sst s0  }
0x9: {  	[smem:$0x3FAF] =	sst s1  }
0xa: {  	[smem:$0x3FB0] =	sst s2  }
0xb: {  	[smem:$0x3FB1] =	sst s3  }
0xc: {  	[smem:$0x3FB2] =	sst s4  }
0xd: {  	[smem:$0x3FB3] =	sst s5  }
0xe: {  	[smem:$0x3FB4] =	sst s6  }
0xf: {  	[smem:$0x3FB5] =	sst s7  }
0x10: {  	[smem:$0x3FB6] =	sst s8  }
0x11: {  	[smem:$0x3FB7] =	sst s9;
	s0 =	simm.s32 @!p0 $0x0  }
0x12: {  	s1 =	sld [smem:$0x3F9D];
	s0 =	simm.s32 @p0 $0x1  }
0x13: {  	[smem:$0x3FB8] =	sst s0;
	s0 =	simm.s32 @!p1 $0x0  }
0x14: {  	s2 =	sld [smem:$0x3F9C];
	s0 =	simm.s32 @p1 $0x1  }
0x15: {  	[smem:$0x3FB9] =	sst s0;
	s0 =	simm.s32 @!p2 $0x0  }
0x16: {  	s3 =	sld [smem:$0x3FDB];
	s0 =	simm.s32 @p2 $0x1  }
0x17: {  	s4 =	simm.s32 $0x1BF5;
	[smem:$0x3FBB] =	sst s0  }
0x18: {  	s0 =	sld [smem:$0x3F9E];
	_ =	swait.ge [sflag:s4], $0x0  }
0x19: {  	s7 =	sld [smem:$0x3F9F]  }
0x1a: {  	s8 =	sadd.s32 $0xFFFFE003, lr  }
0x1b: {  	s9 =	sadd.s32 $0xFFFFFEF7, lr;
	s5 =	simm.s32 $0xFFFFFFFF;
	p2 =	slt.u32 s8, $0xFFFFF086  }
0x1c: {  	p1 =	slt.u32 s9, $0xF7A;
	s5 =	simm.s32 @!p2 $0x0  }
0x1d: {  	s5 =	simm.s32 @p1 $0x1;
	p0 =	seq.s32 s7, s2  }
0x1e: {  	s7 =	smul.u32 @!p0 $0xF7A, s2;
	p2 =	seq.s32 @!p0 s5, $0x0  }
0x1f: {  	s9 =	smul.u32 $0xF7A, s1;
	s8 =	simm.s32 @!p0 $0x1BF5;
	p2 =	por !p2, p0  }
0x20: {  	[sflag:s8] =	ssyncset.s32 @!p0 $0xFFFFF086;
	s6 =	sadd.s32 @!p0 s3, s7;
	s7 =	simm.s32 @!p0 $0x108  }
0x21: {  	s3 =	sadd.s32 s3, s9;
	s6 =	sadd.s32 @!p0 $0x88, s6;
	s7 =	simm.s32 @p2 $0x1082  }
0x22: {  	[simem:s7], [sflag:s8] =	dma.local @!p0 [hbm:s6], $0xF7A  }
0x23: {  	s9 =	sor.u32 $0xD0000000, s2;
	s6 =	simm.s32 $0x108;
	_ =	swait.ge @!p0 [sflag:s8], $0x0  }
0x24: {  	s3 =	sadd.s32 $0x88, s3;
	s6 =	simm.s32 @!p1 $0x1082;
	[sflag:s4] =	ssyncset.s32 $0xFFFFF086  }
0x25: {  	[simem:s6], [sflag:s4] =	dma.local [hbm:s3], $0xF7A  }
0x26: {  	[smem:$0x3F9F] =	sst s1;
	(tag) =	ssettag s2;
	_ =	strace s9  }
0x27: {  	s1 =	sld [smem:$0x3FAF]  }
0x28: {  	s2 =	sld [smem:$0x3FB0]  }
0x29: {  	s4 =	sld [smem:$0x3FB2]  }
0x2a: {  	p0 =	seq.s32 s5, $0x0;
	s5 =	sld [smem:$0x3FB3]  }
0x2b: {  	s6 =	sld [smem:$0x3FB4]  }
0x2c: {  	s7 =	sld [smem:$0x3FB5]  }
0x2d: {  	s3 =	simm.s32 $0x108;
	s8 =	sld [smem:$0x3FB6]  }
0x2e: {  	s3 =	simm.s32 @!p0 $0x1082;
	s9 =	sld [smem:$0x3FB7]  }
0x2f: {  	lr =	sadd.s32 s0, s3;
	s0 =	sld [smem:$0x3FAE]  }
0x30: {  	s3 =	sld [smem:$0x3FB1]  }
0x31: {  	[smem:$0x3FBA] =	sst s10  }
0x32: {  	s10 =	sld [smem:$0x3FB8];
	_ =	sdelay $0x3  }
0x33: {  	p0 =	seq.s32 s10, $0x1;
	s10 =	sld [smem:$0x3FBA];
	_ =	sdelay $0x3  }
0x34: {  	[smem:$0x3FBA] =	sst s10  }
0x35: {  	s10 =	sld [smem:$0x3FB9];
	_ =	sdelay $0x3  }
0x36: {  	p1 =	seq.s32 s10, $0x1;
	s10 =	sld [smem:$0x3FBA];
	_ =	sdelay $0x3  }
0x37: {  	[smem:$0x3FBA] =	sst s10  }
0x38: {  	s10 =	sld [smem:$0x3FBB]  }
0x39: {  	_ = 	snop;
	(pc) =	sbr.ind lr, $3  }
0x3a: {  	_ = 	snop  }
0x3b: {  	_ = 	snop  }
0x3c: {  	p2 =	seq.s32 s10, $0x1;
	s10 =	sld [smem:$0x3FBA]  }
0x3d: {  	_ =	shalt  }
0x3e: {  	_ =	shalt  }
0x3f: {  	_ =	shalt  }
0x40: {  	_ =	shalt  }
0x41: {  	_ =	shalt  }
0x42: {  	_ =	shalt  }
0x43: {  	_ =	shalt  }
0x44: {  	_ =	shalt  }
0x45: {  	_ =	shalt  }
0x46: {  	_ =	shalt  }
0x47: {  	_ =	shalt  }
0x48: {  	_ =	shalt  }
0x49: {  	_ =	shalt  }
0x4a: {  	_ =	shalt  }
0x4b: {  	_ =	shalt  }
0x4c: {  	_ =	shalt  }
0x4d: {  	_ =	shalt  }
0x4e: {  	_ =	shalt  }
0x4f: {  	_ =	shalt  }
0x50: {  	_ =	shalt  }
0x51: {  	_ =	shalt  }
0x52: {  	_ =	shalt  }
0x53: {  	_ =	shalt  }
0x54: {  	_ =	shalt  }
0x55: {  	_ =	shalt  }
0x56: {  	_ =	shalt  }
0x57: {  	_ =	shalt  }
0x58: {  	_ =	shalt  }
0x59: {  	_ =	shalt  }
0x5a: {  	_ =	shalt  }
0x5b: {  	_ =	shalt  }
0x5c: {  	_ =	shalt  }
0x5d: {  	_ =	shalt  }
0x5e: {  	_ =	shalt  }
0x5f: {  	_ =	shalt  }
0x60: {  	_ =	shalt  }
0x61: {  	_ =	shalt  }
0x62: {  	_ =	shalt  }
0x63: {  	_ =	shalt  }
0x64: {  	_ =	shalt  }
0x65: {  	_ =	shalt  }
0x66: {  	_ =	shalt  }
0x67: {  	_ =	shalt  }
0x68: {  	_ =	shalt  }
0x69: {  	_ =	shalt  }
0x6a: {  	_ =	shalt  }
0x6b: {  	_ =	shalt  }
0x6c: {  	_ =	shalt  }
0x6d: {  	_ =	shalt  }
0x6e: {  	_ =	shalt  }
0x6f: {  	_ =	shalt  }
0x70: {  	_ =	shalt  }
0x71: {  	_ =	shalt  }
0x72: {  	_ =	shalt  }
0x73: {  	_ =	shalt  }
0x74: {  	_ =	shalt  }
0x75: {  	_ =	shalt  }
0x76: {  	_ =	shalt  }
0x77: {  	_ =	shalt  }
0x78: {  	_ =	shalt  }
0x79: {  	_ =	shalt  }
0x7a: {  	_ =	shalt  }
0x7b: {  	_ =	shalt  }
0x7c: {  	_ =	shalt  }
0x7d: {  	_ =	shalt  }
0x7e: {  	_ =	shalt  }
0x7f: {  	_ =	shalt  }
0x80: {  	_ =	shalt  }
0x81: {  	_ =	shalt  }
0x82: {  	_ =	shalt  }
0x83: {  	_ =	shalt  }
0x84: {  	_ =	shalt  }
0x85: {  	_ =	shalt  }
0x86: {  	_ =	shalt  }
0x87: {  	_ =	shalt  }
.Lfunc_end0:
.L_simem_size_0:
called_computation_lowered:
.L_overlay_start_0:
0x88: {  	s2 =	sld [smem:$0x3FD9]  }
0x89: {  	s3 =	sld [smem:$0x3FFE];
	_ =	sdelay $0x1  }
0x8a: {  	s1 =	srdreg.scid  }
0x8b: {  	s0 =	sand.u32 $0x1, s1  }
0x8c: {  	s17 =	sshll.u32 s0, $0xA;
	s2 =	sadd.s32 s3, s2  }
0x8d: {  	s2 =	sadd.s32 s2, s17  }
0x8e: {  	[smem:$0x3FC6] =	sst s2  }
0x8f: {  	_ = 	snop  }
0x90: {  	s2 =	sld [smem:$0x3FC9];
	(tm) =	ssettm $0x1  }
0x91: {  	s18 =	sld [smem:$0x3FFB];
	_ =	sdelay $0x3  }
0x92: {  	_ =	strace s18  }
0x93: {  	s3 =	sld [smem:$0x3FFC];
	_ =	sdelay $0x3  }
0x94: {  	_ =	strace s3  }
0x95: {  	s3 =	sld [smem:$0x3FFD];
	_ =	sdelay $0x3  }
0x96: {  	_ =	strace s3  }
0x97: {  	_ =	strace $0x8FFFFFFF  }
0x98: {  	s19 =	sld [smem:$0x3FDB];
	_ =	sdelay $0x1  }
0x99: {  	s4 =	simm.s32 $_scs_section_size  }
0x9a: {  	s5 =	simm.s32 $_size__tile_overlayer_lowered;
	s6 =	simm.s32 $_tile_overlayer_lowered  }
0x9b: {  	s22 =	simm.s32 $0x1BFF;
	s21 =	sshll.u32 s6, $0x1;
	s3 =	sadd.s32 s4, s19  }
0x9c: {  	s7 =	simm.s32 $0x0;
	s20 =	sshll.u32 s5, $0x1;
	s5 =	sadd.s32 s21, s3  }
0x9d: {  	[timem:s7], [sflag:s22] =	dma.local [hbm:s5], s20  }
0x9e: {  	_ =	swait.ge [sflag:s22], s20  }
0x9f: {  	s4 =	ssub.s32 $0x0, s20;
	[sflag:s22] =	ssyncset.done $0x0  }
0xa0: {  	[sflag:s22] =	ssyncadd.s32 s4;
	_ =	sdelay $0x1  }
0xa1: {  	s23 =	simm.s32 $0x1B8B  }
0xa2: {  	_ =	swait.ge [sflag:s23], $0x1  }
0xa3: {  	[sflag:s23] =	ssyncset.done $0x0  }
0xa4: {  	s25 =	simm.s32 $0x1B8E;
	s24 =	sld [smem:$0x3FFE];
	[sflag:s23] =	ssyncadd.s32 $0xFFFFFFFF  }
0xa5: {  	s26 =	simm.s32 $execute0_lowered;
	[smem:$0x3FD2] =	sst s25  }
0xa6: {  	s5 =	sshll.u32 s26, $0x1;
	_ =	strace $0x80000046;
	[dreg:$0x1] =	wrdreg $0xFFFFFFFF  }
0xa7: {  	s28 =	simm.s32 $_size_execute0_lowered;
	s3 =	sadd.s32 s3, s5;
	[dreg:$0x0] =	wrdreg $0x0  }
0xa8: {  	s5 =	sshll.u32 s28, $0x1;
	[dreg:$0x2] =	wrdreg s3  }
0xa9: {  	[dreg:$0x3] =	wrdreg s5  }
0xaa: {  	[dreg:$0x4] =	wrdreg $0xC0  }
0xab: {  	_ =	task [dreg:s7], $0x5FFFF  }
0xac: {  	[dreg:$0x1] =	wrdreg $0xFFFFFFFF  }
0xad: {  	[dreg:$0x0] =	wrdreg $0x60  }
0xae: {  	[dreg:$0x2] =	wrdreg s2  }
0xaf: {  	[dreg:$0x3] =	wrdreg s24  }
0xb0: {  	[dreg:$0x4] =	wrdreg $0x9  }
0xb1: {  	_ =	task.clear_ibuf [dreg:s7], $0x5FFFF;
	_ =	strace $0x90000046  }
0xb2: {  	s29 =	simm.s32 $0x9;
	_ =	strace $0x80000048  }
0xb3: {  	_ =	swait.ge [sflag:s29], $0x1  }
0xb4: {  	[sflag:s29] =	ssyncadd.s32 $0xFFFFFFFF  }
0xb5: {  	_ =	strace $0x90000048  }
0xb6: {  	_ =	sfence  }
0xb7: {  	s30 =	sld [smem:$0x0];
	_ =	sdelay $0x2  }
0xb8: {  	s31 =	sshll.u32 s1, $0xD;
	s1 =	sshrl.u32 s1, $0x2  }
0xb9: {  	s3 =	sand.u32 $0x4000, s31;
	s1 =	sadd.s32 s1, s30  }
0xba: {  	s0 =	sor.u32 s3, s0;
	s1 =	sshll.u32 s1, $0x11  }
0xbb: {  	s0 =	sor.u32 s1, s0  }
0xbc: {  	s0 =	sadd.s32 $0x8F2B, s0  }
0xbd: {  	[sflag:s0] =	ssyncadd.remote.s32 $0x1  }
0xbe: {  	_ =	sfence.sel $0xFFFF  }
0xbf: {  	[dreg:$0x0] =	wrdreg $0xFFFFFFFF;
	(pc) =	sbr.abs _section_cstart, $3  }
0xc0: {  	[dreg:$0x1] =	wrdreg $0xFFFFFFFF  }
0xc1: {  	_ =	task.clear_ibuf [dreg:s7], $0x2FFFF;
	_ =	strace $0x9FFFFFFF  }
0xc2: {  	(tm) =	ssettm $0x7FFFFFFF  }
0xc3: {  	_ =	shalt  }
tec
execute0_lowered:
.L_overlay_start_1:
0x0: {  	(tag) =	ssettag $0x1  }
0x1: {  	s2 =	rddreg [dreg:$0x0]  }
0x2: {  	s4 =	rddreg [dreg:$0x1]  }
0x3: {  	s0 =	rddreg [dreg:$0x2];
	s5 =	srdreg.scid  }
0x4: {  	s1 =	stileid.u32;
	s3 =	simm.s32 $0x0;
	s11 =	simm.s32 $0x0  }
0x5: {  	s5 =	sand.u32 $0x1, s5;
	s6 =	sshll.u32 s1, $0x1;
	[smem:$0x7FF] =	sst s3  }
0x6: {  	s8 =	sshll.u32 s1, $0x11;
	s6 =	sor.u32 s5, s6;
	_ =	strace $0x80000047  }
0x7: {  	s8 =	sand.u32 $0x1C0000, s8;
	s5 =	ssub.s32 $0x2, s5;
	s7 =	sand.u32 $0x3, s6  }
0x8: {  	s6 =	sshll.u32 s6, $0x6;
	s9 =	sshll.u32 s7, $0x10;
	s7 =	sshll.u32 s7, $0x9  }
0x9: {  	s31 =	sshrl.u32 s5, $0x1;
	s6 =	sadd.s32 s6, s4;
	s10 =	scvt.s32.f32 s7  }
0xa: {  	s4 =	sor.u32 s8, s9;
	s8 =	ssub.s32 s5, s31;
	s6 =	sadd.s32 $0x800, s6  }
0xb: {  	s9 =	sshrl.u32 s4, $0x3;
	s7 =	smax.u32 s8, $0x1;
	s8 =	simm.s32 $0x1;
	v0 =	vmov s10  }
0xc: {  	v1 =	vimm.f32 $0.0e+00;
	s5 =	sadd.s32 s2, s9;
	s9 =	simm.s32 $0x4000;
	s10 =	simm.s32 $0x2;
	[tilespmem:$0x1FFF0] =	vst v0  }
.LBB2_1:
0xd: {  	v13 =	vimm.f32 $1.000000000e+06;
	v2 =	vimm.f32 $-1.000000000e+00  }
0xe: {  	v21 =	vimm.f32 $0.0e+00;
	v23 =	vimm.f32 $0.0e+00;
	v8 =	vimm.f32 $-1.000000000e+00  }
0xf: {  	v20 =	vimm.f32 $0.0e+00;
	v5 =	vimm.f32 $1.000000000e+06;
	v12 =	vimm.f32 $0.0e+00  }
0x10: {  	v7 =	vimm.f32 $-1.000000000e+00;
	v19 =	vimm.f32 $0.0e+00;
	v63 =	vimm.f32 $1.000000000e+06  }
0x11: {  	v14 =	vimm.f32 $0.0e+00;
	v26 =	vimm.f32 $-1.000000000e+00;
	v24 =	vimm.f32 $0.0e+00  }
0x12: {  	v10 =	vimm.f32 $1.000000000e+06;
	v25 =	vimm.f32 $0.0e+00;
	v17 =	vimm.f32 $-1.000000000e+00  }
0x13: {  	v0 =	vimm.f32 $0.0e+00;
	v11 =	vimm.f32 $1.000000000e+06;
	v27 =	vimm.f32 $0.0e+00  }
0x14: {  	v9 =	vimm.f32 $-1.000000000e+00;
	v6 =	vimm.f32 $0.0e+00;
	[tilespmem:s3], [sflag:$0x1] =	stream.linear.gather [hbm4b:s5+s3], $0x2000, $0x38;
	v31 =	vimm.f32 $0.0e+00;
	[tilespmem:$0x4200] =	vst v63  }
0x15: {  	v22 =	vimm.f32 $-1.000000000e+00;
	v4 =	vimm.f32 $0.0e+00;
	[tilespmem:$0x1FFC0] =	vst v0;
	v0 =	vimm.f32 $1.000000000e+06  }
0x16: {  	v3 =	vimm.f32 $1.000000000e+06;
	v15 =	vimm.f32 $-1.000000000e+00;
	[tilespmem:$0x1FFD0] =	vst v0;
	v0 =	vimm.f32 $0.0e+00  }
0x17: {  	p0 =	por $0x0, $0x0;
	v35 =	vimm.f32 $0.0e+00;
	v16 =	vimm.f32 $1.000000000e+06;
	v18 =	vimm.f32 $0.0e+00;
	v37 =	vld [tilespmem:$0x1FFF0];
	s12 =	simm.s32 $0x0;
	[tilespmem:$0x1FFE0] =	vst v0  }
.LBB2_3:
0x18: {  	[tilespmem:$0x1FE40] =	vst v26  }
0x19: {  	[tilespmem:$0x1FE50] =	vst v25  }
0x1a: {  	[tilespmem:$0x1FE60] =	vst v24  }
0x1b: {  	[tilespmem:$0x1FE70] =	vst v23  }
0x1c: {  	[tilespmem:$0x1FE80] =	vst v21  }
0x1d: {  	[tilespmem:$0x1FE90] =	vst v20  }
0x1e: {  	[tilespmem:$0x1FEA0] =	vst v19  }
0x1f: {  	[tilespmem:$0x1FEB0] =	vst v14  }
0x20: {  	[tilespmem:$0x1FEC0] =	vst v12  }
0x21: {  	[tilespmem:$0x1FED0] =	vst v8  }
0x22: {  	[tilespmem:$0x1FEE0] =	vst v7;
	s13 =	smov.u32 s12  }
0x23: {  	[tilespmem:$0x1FEF0] =	vst v2;
	s12 =	sadd.s32 $0x1, s12;
	p1 =	seq.s32 s13, $0x7  }
0x24: {  	[tilespmem:$0x1FF00] =	vst v13;
	s13 =	simm.s32 $0x1;
	s14 =	sshll.u32 @!p1 s12, $0xD  }
0x25: {  	[tilespmem:$0x1FF10] =	vst v10;
	s13 =	simm.s32 @!p0 $0x0;
	s15 =	sadd.s32 @!p1 s14, s4  }
0x26: {  	[tilespmem:$0x1FF20] =	vst v5;
	s13 =	sshll.u32 s13, $0xD;
	s15 =	sshrl.u32 @!p1 s15, $0x3  }
0x27: {  	[tilespmem:$0x1FF30] =	vst v63;
	s16 =	simm.s32 @!p1 $0x0;
	s14 =	sand.u32 @!p1 $0x2000, s14;
	v36 =	vmov s13;
	s15 =	sadd.s32 @!p1 s2, s15  }
0x28: {  	[tilespmem:s14], [sflag:$0x1] =	stream.linear.gather @!p1 [hbm4b:s15+s16], $0x2000, $0x38;
	[tilespmem:$0x4200] =	vst v63  }
0x29: {  	_ =	swait.ge [sflag:s8], $0x2000  }
0x2a: {  	[sflag:s8] =	ssyncset.done $0x0  }
0x2b: {  	s31 =	simm.s32 $0x0;
	[sflag:s8] =	ssyncadd.s32 $0xFFFFE000  }
0x2c: {  	v38 =	vld.idx.msk [tilespmem:v36+s31+$0x190 ss:$0x1], $0xffff  }
0x2d: {  	v41 =	vld.idx.msk [tilespmem:v36+s31+$0x110 ss:$0x1], $0xffff  }
0x2e: {  	v30 =	vld.idx.msk [tilespmem:v36+s31+$0x100 ss:$0x1], $0xffff  }
0x2f: {  	v42 =	vld.idx.msk [tilespmem:v36+s31+$0x90 ss:$0x1], $0xffff  }
0x30: {  	v43 =	vld.idx.msk [tilespmem:v36+s31+$0x120 ss:$0x1], $0xffff  }
0x31: {  	v45 =	vld.idx.msk [tilespmem:v36+s31+$0x180 ss:$0x1], $0xffff  }
0x32: {  	v46 =	vld.idx.msk [tilespmem:v36+s31+$0x1A0 ss:$0x1], $0xffff  }
0x33: {  	v32 =	vld.idx.msk [tilespmem:v36+s31+$0x10 ss:$0x1], $0xffff  }
0x34: {  	v14 =	vmov v37;
	v48 =	vld.idx.msk [tilespmem:v36+s31+$0xB0 ss:$0x1], $0xffff  }
0x35: {  	v2 =	vadd.f32 $1.000000000e+00, v14;
	v39 =	vsub.f32 v14, v17;
	v49 =	vld.idx.msk [tilespmem:v36+s31+$0x30 ss:$0x1], $0xffff  }
0x36: {  	v44 =	vsub.f32 v14, v9;
	v33 =	vsub.f32 v14, v15;
	v55 =	vld.idx.msk [tilespmem:v36+s31+$0x0 ss:$0x1], $0xffff  }
0x37: {  	v51 =	vsub.f32 v14, v22;
	v40 =	vadd.f32 $1.000000000e+00, v2;
	v47 =	vmul.f32 v39, v39;
	v56 =	vld.idx.msk [tilespmem:v36+s31+$0x130 ss:$0x1], $0xffff  }
0x38: {  	v54 =	vmul.f32 v44, v44;
	v53 =	vmul.f32 v33, v33;
	v57 =	vld.idx.msk [tilespmem:v36+s31+$0xA0 ss:$0x1], $0xffff  }
0x39: {  	v23 =	vmul.f32 v51, v51;
	v52 =	vadd.f32 $1.000000000e+00, v40;
	v0 =	vld.idx.msk [tilespmem:v36+s31+$0x80 ss:$0x1], $0xffff;
	vm4 =	vgt.f32 v30, $0.0e+00  }
0x3a: {  	vm0 =	vgt.f32 v38, $0.0e+00;
	vm9 =	vgt.f32 v42, $0.0e+00;
	vm6 =	vgt.f32 v43, $0.0e+00  }
0x3b: {  	v38 =	vadd.f32 $1.000000000e+00, v52;
	vm3 =	vgt.f32 v41, $0.0e+00;
	vm1 =	vgt.f32 v45, $0.0e+00  }
0x3c: {  	vm2 =	vgt.f32 v32, $0.0e+00;
	vm7 =	vgt.f32 v46, $0.0e+00;
	vm5 =	vgt.f32 v48, $0.0e+00  }
0x3d: {  	vm8 =	vgt.f32 v49, $0.0e+00;
	vm11 =	vgt.f32 v55, $0.0e+00;
	vm12 =	vgt.f32 v56, $0.0e+00  }
0x3e: {  	vm10 =	vgt.f32 v57, $0.0e+00;
	vm15 =	vgt.f32 v0, $0.0e+00;
	v5 =	vnsel vm4, $0x49742400, v40  }
0x3f: {  	v34 =	vld.idx.msk [tilespmem:v36+s31+$0x1B0 ss:$0x1], $0xffff;
	v39 =	vsel vm0, $0x3F800000, v1;
	v37 =	vnsel vm0, $0x49742400, v52;
	v58 =	vsel vm9, $0x3F800000, v1  }
0x40: {  	v44 =	vnsel vm9, $0x49742400, v2;
	v22 =	vsel vm2, v14, v22;
	v41 =	vnsel vm6, $0x49742400, v40  }
0x41: {  	v43 =	vnsel vm3, $0x49742400, v40;
	v46 =	vsel vm6, $0x3F800000, v1;
	v49 =	vsel vm8, $0x3F800000, v1  }
0x42: {  	v17 =	vsel vm8, v14, v17;
	v45 =	vsel vm3, $0x3F800000, v1;
	v42 =	vnsel vm7, $0x49742400, v52  }
0x43: {  	v61 =	vsel vm4, $0x3F800000, v1;
	v55 =	vnsel vm8, $0x49742400, v14;
	v62 =	vsel vm12, $0x3F800000, v1  }
0x44: {  	v50 =	vnsel vm1, $0x49742400, v52;
	vm8 =	vgt.f32 v34, $0.0e+00;
	v21 =	vsel vm2, $0x3F800000, v1  }
0x45: {  	v51 =	vnsel vm12, $0x49742400, v40;
	v57 =	vsel vm5, $0x3F800000, v1;
	v24 =	vnsel vm11, $0x49742400, v14  }
0x46: {  	v15 =	vsel vm11, v14, v15;
	v48 =	vsel vm7, $0x3F800000, v1;
	v26 =	vnsel vm15, $0x49742400, v2  }
0x47: {  	v28 =	vsel vm11, $0x3F800000, v1;
	v59 =	vmul.f32 v49, v47;
	v60 =	vsub.f32 v2, v17  }
0x48: {  	v17 =	vsel vm5, v2, v17;
	v19 =	vadd.f32 v49, v27;
	v34 =	vsel vm8, $0x3F800000, v1  }
0x49: {  	v8 =	vnsel vm8, $0x49742400, v52;
	v49 =	vsel vm9, v2, v22;
	v47 =	vnsel vm10, $0x49742400, v2  }
0x4a: {  	v22 =	vsub.f32 v2, v22;
	v27 =	vsel vm15, $0x3F800000, v1;
	v18 =	vadd.f32 v28, v18  }
0x4b: {  	v30 =	vld.idx.msk [tilespmem:v36+s31+$0x20 ss:$0x1], $0xffff;
	v16 =	vmin.f32 v16, v24;
	v28 =	vmul.f32 v28, v53;
	v12 =	vmin.f32 v11, v55  }
0x4c: {  	v0 =	vld [tilespmem:$0x1FFC0];
	v56 =	vsub.f32 v40, v17;
	v20 =	vsel vm12, v40, v17;
	v17 =	vsel vm15, v2, v15  }
0x4d: {  	v15 =	vsub.f32 v2, v15;
	v16 =	vmin.f32 v16, v26;
	v19 =	vadd.f32 v57, v19  }
0x4e: {  	v29 =	vsub.f32 v40, v17;
	v22 =	vmul.f32 v22, v22;
	v17 =	vsel vm4, v40, v17  }
0x4f: {  	v28 =	vadd.f32 v28, v35;
	v35 =	vsel vm3, v40, v49;
	v18 =	vadd.f32 v27, v18  }
0x50: {  	v16 =	vmin.f32 v16, v5;
	vm13 =	vgt.f32 v30, $0.0e+00;
	v32 =	vmul.f32 v15, v15  }
0x51: {  	v15 =	vmul.f32 v60, v60;
	v13 =	vadd.f32 v59, v0;
	v33 =	vsub.f32 v52, v17  }
0x52: {  	v0 =	vsel vm10, $0x3F800000, v1;
	v56 =	vmul.f32 v56, v56;
	v16 =	vmin.f32 v16, v50  }
0x53: {  	v25 =	vnsel vm13, $0x49742400, v14;
	v9 =	vsel vm13, v14, v9;
	v24 =	vmul.f32 v29, v29  }
0x54: {  	v29 =	vsub.f32 v52, v20;
	v53 =	vsel vm13, $0x3F800000, v1;
	v18 =	vadd.f32 v61, v18  }
0x55: {  	v30 =	vsub.f32 v2, v9;
	v9 =	vsel vm10, v2, v9;
	v31 =	vadd.f32 v53, v31  }
0x56: {  	v57 =	vmul.f32 v57, v15;
	v56 =	vmul.f32 v62, v56;
	v15 =	vsel vm1, v52, v17  }
0x57: {  	v32 =	vmul.f32 v27, v32;
	v53 =	vmul.f32 v53, v54;
	v17 =	vsel vm8, v52, v20  }
0x58: {  	v20 =	vsub.f32 v52, v35;
	v55 =	vmul.f32 v33, v33;
	v54 =	vmul.f32 v58, v22  }
0x59: {  	v22 =	vsel vm0, v52, v35;
	v24 =	vmul.f32 v61, v24;
	v60 =	vsub.f32 v40, v9  }
0x5a: {  	[tilespmem:$0x1FF40] =	vst v2;
	v63 =	vsel vm6, v40, v9;
	v13 =	vadd.f32 v57, v13;
	v57 =	vnsel vm5, $0x49742400, v2;
	v2 =	vld [tilespmem:$0x1FFE0]  }
0x5b: {  	v29 =	vmul.f32 v29, v29;
	v30 =	vmul.f32 v30, v30;
	v59 =	vsub.f32 v52, v63  }
0x5c: {  	v9 =	vsel vm7, v52, v63;
	v11 =	vadd.f32 v53, v6;
	v53 =	vadd.f32 v0, v31  }
0x5d: {  	v63 =	vmul.f32 v60, v60;
	v12 =	vmin.f32 v12, v57;
	v30 =	vmul.f32 v0, v30  }
0x5e: {  	v12 =	vmin.f32 v12, v51;
	v51 =	vmul.f32 v20, v20;
	v20 =	vadd.f32 v32, v28  }
0x5f: {  	v0 =	vmul.f32 v34, v29;
	v13 =	vadd.f32 v56, v13;
	v28 =	vadd.f32 v21, v2;
	v2 =	vld [tilespmem:$0x1FFD0]  }
0x60: {  	v27 =	vmul.f32 v59, v59;
	v26 =	vmul.f32 v46, v63;
	v11 =	vadd.f32 v30, v11  }
0x61: {  	v52 =	vadd.f32 v62, v19;
	v57 =	vmul.f32 v21, v23;
	v8 =	vmin.f32 v12, v8  }
0x62: {  	v13 =	vadd.f32 v0, v13;
	v19 =	vmul.f32 v48, v27;
	v11 =	vadd.f32 v26, v11  }
0x63: {  	v0 =	vnsel vm2, $0x49742400, v14;
	v32 =	vadd.f32 v24, v20;
	v21 =	vadd.f32 v58, v28  }
0x64: {  	v7 =	vadd.f32 v19, v11;
	v56 =	vmin.f32 v2, v25;
	v25 =	vsel vm1, $0x3F800000, v1  }
0x65: {  	s13 =	sor.u32 $0x140, s13;
	s14 =	simm.s32 $0x800;
	v26 =	vmin.f32 v3, v0;
	v27 =	vadd.f32 v45, v21;
	v18 =	vadd.f32 v25, v18  }
.LBB2_4:
0x66: {  	s15 =	sshra.s32 s14, $0x2;
	v0 =	vsub.f32 v38, v17;
	p1 =	sne.s32 s14, $0x7800;
	s14 =	sadd.s32 $0x800, s14;
	v19 =	vsub.f32 v40, v49;
	v20 =	vmul.f32 v25, v55;
	v25 =	vmovc v38  }
0x67: {  	v10 =	vadd.f32 v57, v4;
	v23 =	vmin.f32 v26, v44;
	v24 =	vadd.f32 v46, v53;
	v21 =	vld.idx.msk [tilespmem:v36+s15+$0x190 ss:$0x1], $0xffff  }
0x68: {  	v26 =	vadd.f32 v39, v27;
	v0 =	vmul.f32 v0, v0;
	v28 =	vld.idx.msk [tilespmem:v36+s15+$0x110 ss:$0x1], $0xffff;
	v19 =	vmul.f32 v19, v19  }
0x69: {  	v30 =	vmul.f32 v39, v51;
	v10 =	vadd.f32 v54, v10;
	v55 =	vadd.f32 v48, v24;
	v29 =	vld.idx.msk [tilespmem:v36+s15+$0x90 ss:$0x1], $0xffff  }
0x6a: {  	v27 =	vmin.f32 v56, v47;
	v23 =	vmin.f32 v23, v43;
	v24 =	vld.idx.msk [tilespmem:v36+s15+$0x100 ss:$0x1], $0xffff;
	v19 =	vmul.f32 v45, v19  }
0x6b: {  	v31 =	vmin.f32 v27, v41;
	v51 =	vadd.f32 v20, v32;
	v20 =	vadd.f32 v34, v52;
	v33 =	vld.idx.msk [tilespmem:v36+s15+$0x120 ss:$0x1], $0xffff  }
0x6c: {  	v53 =	vadd.f32 $1.000000000e+00, v38;
	v27 =	vmin.f32 v23, v37;
	v34 =	vld.idx.msk [tilespmem:v36+s15+$0x180 ss:$0x1], $0xffff;
	v10 =	vadd.f32 v19, v10  }
0x6d: {  	v31 =	vmin.f32 v31, v42;
	v19 =	vsub.f32 v38, v9;
	v23 =	vld.idx.msk [tilespmem:v36+s15+$0x1A0 ss:$0x1], $0xffff  }
0x6e: {  	v40 =	vadd.f32 $1.000000000e+00, v53;
	v35 =	vld.idx.msk [tilespmem:v36+s15+$0x10 ss:$0x1], $0xffff;
	v2 =	vadd.f32 v30, v10  }
0x6f: {  	v54 =	vmul.f32 v19, v19;
	v19 =	vld.idx.msk [tilespmem:v36+s15+$0xA0 ss:$0x1], $0xffff  }
0x70: {  	v32 =	vadd.f32 $1.000000000e+00, v40;
	vm0 =	vgt.f32 v21, $0.0e+00;
	vm4 =	vgt.f32 v24, $0.0e+00;
	v30 =	vld.idx.msk [tilespmem:v36+s15+$0xB0 ss:$0x1], $0xffff  }
0x71: {  	v21 =	vsub.f32 v38, v15;
	v39 =	vsel vm0, $0x3F800000, v1;
	v52 =	vnsel vm4, $0x49742400, v40;
	v24 =	vld.idx.msk [tilespmem:v36+s15+$0x30 ss:$0x1], $0xffff  }
0x72: {  	v48 =	vsub.f32 v38, v22;
	v37 =	vnsel vm0, $0x49742400, v32;
	vm9 =	vgt.f32 v29, $0.0e+00;
	v47 =	vld.idx.msk [tilespmem:v36+s15+$0x0 ss:$0x1], $0xffff  }
0x73: {  	v38 =	vadd.f32 $1.000000000e+00, v32;
	v21 =	vmul.f32 v21, v21;
	vm6 =	vgt.f32 v33, $0.0e+00  }
0x74: {  	vm3 =	vgt.f32 v28, $0.0e+00;
	v50 =	vsel vm9, $0x3F800000, v1;
	vm1 =	vgt.f32 v34, $0.0e+00  }
0x75: {  	v44 =	vnsel vm9, $0x49742400, v53;
	vm7 =	vgt.f32 v23, $0.0e+00;
	vm2 =	vgt.f32 v35, $0.0e+00;
	v28 =	vld.idx.msk [tilespmem:v36+s15+$0x130 ss:$0x1], $0xffff  }
0x76: {  	v41 =	vnsel vm6, $0x49742400, v40;
	v22 =	vsel vm2, v25, v22;
	vm5 =	vgt.f32 v30, $0.0e+00;
	v23 =	vld.idx.msk [tilespmem:v36+s15+$0x1B0 ss:$0x1], $0xffff  }
0x77: {  	v43 =	vnsel vm3, $0x49742400, v40;
	v46 =	vsel vm6, $0x3F800000, v1;
	vm8 =	vgt.f32 v24, $0.0e+00  }
0x78: {  	v45 =	vsel vm3, $0x3F800000, v1;
	v29 =	vsel vm8, $0x3F800000, v1;
	v17 =	vsel vm8, v25, v17;
	v24 =	vld.idx.msk [tilespmem:v36+s15+$0x20 ss:$0x1], $0xffff  }
0x79: {  	v42 =	vnsel vm7, $0x49742400, v32;
	v0 =	vmul.f32 v29, v0;
	v30 =	vsub.f32 v53, v17  }
0x7a: {  	v33 =	vsel vm4, $0x3F800000, v1;
	vm11 =	vgt.f32 v47, $0.0e+00;
	v17 =	vsel vm5, v53, v17  }
0x7b: {  	v35 =	vnsel vm8, $0x49742400, v25;
	vm13 =	vgt.f32 v28, $0.0e+00;
	v28 =	vsub.f32 v40, v17  }
0x7c: {  	v57 =	vnsel vm1, $0x49742400, v32;
	v58 =	vsel vm13, $0x3F800000, v1;
	vm8 =	vgt.f32 v23, $0.0e+00;
	v56 =	vld.idx.msk [tilespmem:v36+s15+$0x80 ss:$0x1], $0xffff  }
0x7d: {  	v20 =	vadd.f32 v29, v20;
	v23 =	vsel vm2, $0x3F800000, v1;
	v34 =	vsel vm8, $0x3F800000, v1  }
0x7e: {  	v29 =	vmul.f32 v48, v48;
	v59 =	vnsel vm13, $0x49742400, v40;
	v60 =	vnsel vm8, $0x49742400, v32  }
0x7f: {  	vm10 =	vgt.f32 v19, $0.0e+00;
	v19 =	vsel vm5, $0x3F800000, v1;
	vm12 =	vgt.f32 v24, $0.0e+00  }
0x80: {  	v15 =	vsel vm11, v25, v15;
	v24 =	vnsel vm11, $0x49742400, v25;
	v61 =	vnsel vm12, $0x49742400, v25  }
0x81: {  	v49 =	vsel vm9, v53, v22;
	v47 =	vnsel vm10, $0x49742400, v53;
	v48 =	vsel vm7, $0x3F800000, v1  }
0x82: {  	v17 =	vsel vm13, v40, v17;
	v9 =	vsel vm12, v25, v9;
	vm9 =	vgt.f32 v56, $0.0e+00  }
0x83: {  	v22 =	vsub.f32 v53, v22;
	v56 =	vnsel vm9, $0x49742400, v53;
	v62 =	vsel vm9, v53, v15  }
0x84: {  	v20 =	vadd.f32 v19, v20;
	v63 =	vsel vm9, $0x3F800000, v1;
	v3 =	vsub.f32 v40, v62  }
0x85: {  	v4 =	vsel vm11, $0x3F800000, v1;
	v5 =	vsub.f32 v53, v9;
	v15 =	vsub.f32 v53, v15  }
0x86: {  	v18 =	vadd.f32 v4, v18;
	v16 =	vmin.f32 v16, v24;
	v3 =	vmul.f32 v3, v3  }
0x87: {  	v4 =	vmul.f32 v4, v21;
	v21 =	vsub.f32 v32, v17;
	v9 =	vsel vm10, v53, v9  }
0x88: {  	v22 =	vmul.f32 v22, v22;
	v24 =	vsel vm12, $0x3F800000, v1;
	v3 =	vmul.f32 v33, v3  }
0x89: {  	v6 =	vadd.f32 v24, v55;
	v55 =	vmul.f32 v15, v15;
	v15 =	vmul.f32 v30, v30  }
0x8a: {  	v5 =	vmul.f32 v5, v5;
	v30 =	vsel vm4, v40, v62;
	v62 =	vsub.f32 v40, v9  }
0x8b: {  	v0 =	vadd.f32 v0, v13;
	v13 =	vsel vm6, v40, v9;
	v10 =	vsub.f32 v32, v30  }
0x8c: {  	v11 =	vsel vm10, $0x3F800000, v1;
	v28 =	vmul.f32 v28, v28;
	v9 =	vsel vm7, v32, v13  }
0x8d: {  	v5 =	vmul.f32 v11, v5;
	v13 =	vsub.f32 v32, v13;
	v19 =	vmul.f32 v19, v15  }
0x8e: {  	v28 =	vmul.f32 v58, v28;
	v21 =	vmul.f32 v21, v21;
	v15 =	vsel vm1, v32, v30  }
0x8f: {  	v30 =	vmul.f32 v63, v55;
	v0 =	vadd.f32 v19, v0;
	v19 =	vnsel vm5, $0x49742400, v53  }
0x90: {  	v12 =	vsel vm3, v40, v49;
	v4 =	vadd.f32 v4, v51;
	v24 =	vmul.f32 v24, v54  }
0x91: {  	v35 =	vmin.f32 v8, v35;
	v17 =	vsel vm8, v32, v17;
	v51 =	vmul.f32 v62, v62  }
0x92: {  	v24 =	vadd.f32 v24, v7;
	v19 =	vmin.f32 v35, v19;
	v35 =	vsub.f32 v32, v12  }
0x93: {  	v16 =	vmin.f32 v16, v56;
	v56 =	vmul.f32 v46, v51;
	v19 =	vmin.f32 v19, v59  }
0x94: {  	v18 =	vadd.f32 v63, v18;
	v5 =	vadd.f32 v5, v24;
	v55 =	vmul.f32 v10, v10  }
0x95: {  	v53 =	vadd.f32 v11, v6;
	v6 =	vmul.f32 v34, v21;
	v51 =	vmul.f32 v35, v35  }
0x96: {  	v10 =	vmin.f32 v16, v52;
	v4 =	vadd.f32 v30, v4;
	v0 =	vadd.f32 v28, v0  }
0x97: {  	v54 =	vmul.f32 v50, v22;
	v22 =	vsel vm0, v32, v12;
	v11 =	vmul.f32 v13, v13  }
0x98: {  	v16 =	vmin.f32 v10, v57;
	v12 =	vadd.f32 v23, v26;
	v5 =	vadd.f32 v56, v5  }
.Ltmp0:
0x99: {  	v52 =	vadd.f32 v58, v20;
	v57 =	vmul.f32 v23, v29;
	v13 =	vadd.f32 v6, v0;
	(pc) =	sbr.rel @p1 .LBB2_4-.Ltmp0, $4  }
0x9a: {  	v10 =	vmul.f32 v48, v11;
	v0 =	vnsel vm2, $0x49742400, v25;
	v6 =	vadd.f32 v33, v18  }
0x9b: {  	v56 =	vmin.f32 v31, v61;
	v11 =	vadd.f32 v50, v12;
	v25 =	vsel vm1, $0x3F800000, v1  }
0x9c: {  	v32 =	vadd.f32 v3, v4;
	v4 =	vmovc v2;
	v7 =	vadd.f32 v10, v5;
	v26 =	vmin.f32 v27, v0  }
0x9d: {  	v8 =	vmin.f32 v19, v60;
	v27 =	vadd.f32 v45, v11;
	v18 =	vadd.f32 v25, v6  }
0x9e: {  	[tilespmem:$0x1FFC0] =	vst v13;
	v13 =	vld [tilespmem:$0x1FE40]  }
0x9f: {  	s14 =	sadd.s32 $0x0, s13;
	v31 =	vld [tilespmem:$0x1FF40]  }
0xa0: {  	v10 =	vld [tilespmem:s14+$0x10]  }
0xa1: {  	v0 =	vsub.f32 v40, v49;
	v12 =	vld [tilespmem:s14+$0x90]  }
0xa2: {  	v3 =	vmul.f32 v25, v55;
	v6 =	vadd.f32 v46, v53;
	v2 =	vadd.f32 v39, v27;
	v19 =	vld [tilespmem:s14+$0x80]  }
0xa3: {  	v4 =	vadd.f32 v57, v4;
	v5 =	vmin.f32 v26, v44;
	v20 =	vld [tilespmem:s14+$0xFFFFFF90];
	v0 =	vmul.f32 v0, v0  }
0xa4: {  	v11 =	vmul.f32 v39, v51;
	v21 =	vld [tilespmem:s14+$0xFFFFFF30];
	[tilespmem:$0x1FFE0] =	vst v2;
	v2 =	vadd.f32 v48, v6;
	v6 =	vmin.f32 v56, v47  }
0xa5: {  	[tilespmem:$0x1FF70] =	vst v8;
	v23 =	vld [tilespmem:s14+$0xFFFFFF00];
	v4 =	vadd.f32 v54, v4;
	v0 =	vmul.f32 v45, v0;
	v6 =	vmin.f32 v6, v41  }
0xa6: {  	v8 =	vld [tilespmem:$0x1FED0];
	v5 =	vmin.f32 v5, v43;
	[tilespmem:$0x1FF90] =	vst v2;
	v2 =	vadd.f32 v3, v32;
	v6 =	vmin.f32 v6, v42  }
0xa7: {  	[tilespmem:$0x1FF60] =	vst v7;
	v3 =	vld [tilespmem:s14+$0x20];
	v24 =	vadd.f32 $1.000000000e+00, v31;
	v0 =	vadd.f32 v0, v4;
	vm3 =	vgt.f32 v10, $0.0e+00  }
0xa8: {  	v7 =	vld [tilespmem:$0x1FEE0];
	vm2 =	vgt.f32 v12, $0.0e+00;
	v12 =	vsub.f32 v14, v13;
	[tilespmem:$0x1FFA0] =	vst v2;
	v2 =	vadd.f32 v34, v52  }
0xa9: {  	v54 =	vld [tilespmem:s14+$0xFFFFFF10];
	vm0 =	vgt.f32 v19, $0.0e+00;
	vm4 =	vgt.f32 v20, $0.0e+00;
	vm5 =	vgt.f32 v21, $0.0e+00  }
0xaa: {  	v21 =	vld [tilespmem:s14+$0xFFFFFF20];
	vm13 =	vgt.f32 v23, $0.0e+00;
	v39 =	vsel vm3, $0x3F800000, v1;
	[tilespmem:$0x1FFB0] =	vst v2;
	v2 =	vmin.f32 v5, v37  }
0xab: {  	v36 =	vsel vm2, $0x3F800000, v1;
	v38 =	vadd.f32 $1.000000000e+00, v24;
	v23 =	vsel vm13, $0x3F800000, v1;
	[tilespmem:$0x1FF80] =	vst v2;
	v2 =	vld [tilespmem:$0x1FEF0]  }
0xac: {  	v26 =	vsel vm13, v14, v13;
	v27 =	vsel vm4, $0x3F800000, v1;
	vm7 =	vgt.f32 v3, $0.0e+00;
	v3 =	vld [tilespmem:s14+$0xA0]  }
0xad: {  	v13 =	vld [tilespmem:$0x1FE70];
	v46 =	vnsel vm13, $0x49742400, v14;
	v30 =	vsel vm0, $0x3F800000, v1;
	v62 =	vnsel vm5, $0x49742400, v14  }
0xae: {  	[tilespmem:$0x1FFD0] =	vst v6;
	v6 =	vld [tilespmem:s14+$0xFFFFFFB0];
	vm15 =	vgt.f32 v54, $0.0e+00;
	v0 =	vadd.f32 v11, v0;
	v11 =	vsub.f32 v14, v7  }
0xaf: {  	v10 =	vld [tilespmem:s14+$0x0];
	v12 =	vmul.f32 v12, v12;
	v7 =	vsel vm15, v14, v7;
	v37 =	vadd.f32 $1.000000000e+00, v38  }
0xb0: {  	v19 =	vld [tilespmem:s14+$0xFFFFFF80];
	v40 =	vnsel vm0, $0x49742400, v38;
	v32 =	vnsel vm2, $0x49742400, v38;
	[tilespmem:$0x1FF50] =	vst v0;
	v0 =	vsub.f32 v14, v8  }
0xb1: {  	v4 =	vsub.f32 v14, v2;
	vm6 =	vgt.f32 v3, $0.0e+00;
	v3 =	vsel vm5, $0x3F800000, v1  }
0xb2: {  	v11 =	vmul.f32 v11, v11;
	vm1 =	vgt.f32 v21, $0.0e+00;
	v21 =	vadd.f32 v3, v13;
	v13 =	vld [tilespmem:$0x1FE80]  }
0xb3: {  	v12 =	vmul.f32 v23, v12;
	vm12 =	vgt.f32 v6, $0.0e+00;
	v4 =	vmul.f32 v4, v4  }
0xb4: {  	v5 =	vld [tilespmem:s14+$0xB0];
	v6 =	vnsel vm3, $0x49742400, v24;
	vm11 =	vgt.f32 v10, $0.0e+00;
	v10 =	vsel vm7, $0x3F800000, v1  }
0xb5: {  	vm10 =	vgt.f32 v19, $0.0e+00;
	v43 =	vnsel vm7, $0x49742400, v24;
	v3 =	vmul.f32 v3, v4  }
0xb6: {  	v0 =	vmul.f32 v0, v0;
	v20 =	vsel vm12, $0x3F800000, v1;
	v25 =	vnsel vm12, $0x49742400, v31  }
0xb7: {  	v41 =	vnsel vm11, $0x49742400, v24;
	v42 =	vnsel vm10, $0x49742400, v31;
	v3 =	vadd.f32 v3, v13;
	v13 =	vld [tilespmem:$0x1FE50]  }
0xb8: {  	v28 =	vld [tilespmem:s14+$0x30];
	v29 =	vsel vm10, v31, v26;
	v8 =	vsel vm1, v14, v8;
	v50 =	vsel vm11, $0x3F800000, v1  }
0xb9: {  	v26 =	vsub.f32 v31, v26;
	vm8 =	vgt.f32 v5, $0.0e+00;
	v5 =	vld [tilespmem:s14+$0xFFFFFFA0];
	v2 =	vsel vm5, v14, v2  }
0xba: {  	v51 =	vsel vm1, $0x3F800000, v1;
	v44 =	vsel vm11, v24, v29;
	v19 =	vsub.f32 v31, v2  }
0xbb: {  	v29 =	vsub.f32 v24, v29;
	v0 =	vmul.f32 v51, v0;
	v26 =	vmul.f32 v26, v26  }
0xbc: {  	v33 =	vsel vm8, $0x3F800000, v1;
	v19 =	vmul.f32 v19, v19;
	v23 =	vadd.f32 v23, v13;
	v13 =	vld [tilespmem:$0x1FE60]  }
0xbd: {  	v53 =	vnsel vm8, $0x49742400, v38;
	v45 =	vsel vm6, $0x3F800000, v1;
	v2 =	vsel vm12, v31, v2  }
0xbe: {  	vm12 =	vgt.f32 v28, $0.0e+00;
	vm9 =	vgt.f32 v5, $0.0e+00;
	v19 =	vmul.f32 v20, v19  }
0xbf: {  	v20 =	vadd.f32 v20, v21;
	v21 =	vsub.f32 v31, v8;
	v8 =	vsel vm9, v31, v8  }
0xc0: {  	v28 =	vnsel vm6, $0x49742400, v38;
	v35 =	vsub.f32 v24, v2;
	v52 =	vsub.f32 v24, v8  }
0xc1: {  	v55 =	vsel vm7, v24, v8;
	v8 =	vsub.f32 v38, v44;
	v12 =	vadd.f32 v12, v13;
	v13 =	vld [tilespmem:$0x1FE90]  }
0xc2: {  	v63 =	vsel vm12, v24, v2;
	v3 =	vadd.f32 v19, v3;
	v19 =	vmul.f32 v29, v29  }
0xc3: {  	v49 =	vsel vm12, $0x3F800000, v1;
	v21 =	vmul.f32 v21, v21;
	v8 =	vmul.f32 v8, v8  }
0xc4: {  	v60 =	vsel vm9, $0x3F800000, v1;
	v29 =	vmul.f32 v50, v19;
	v19 =	vmul.f32 v35, v35  }
0xc5: {  	v2 =	vsel vm8, v38, v63;
	v48 =	vadd.f32 v49, v20;
	v21 =	vmul.f32 v60, v21  }
0xc6: {  	v19 =	vmul.f32 v49, v19;
	v49 =	vmul.f32 v30, v8;
	v8 =	vld [tilespmem:$0x1FF00];
	v0 =	vadd.f32 v0, v13  }
0xc7: {  	v34 =	vsub.f32 v38, v63;
	v63 =	vsub.f32 v31, v7;
	v7 =	vsel vm4, v31, v7;
	v13 =	vld [tilespmem:$0x1FEC0]  }
0xc8: {  	v20 =	vsel vm10, $0x3F800000, v1;
	v61 =	vmul.f32 v52, v52;
	v52 =	vadd.f32 v21, v0;
	v0 =	vld [tilespmem:$0x1FF30]  }
0xc9: {  	v5 =	vnsel vm4, $0x49742400, v31;
	v4 =	vnsel vm12, $0x49742400, v24;
	v23 =	vadd.f32 v20, v23  }
0xca: {  	v47 =	vnsel vm9, $0x49742400, v31;
	v59 =	vmul.f32 v34, v34;
	v20 =	vmul.f32 v20, v26  }
0xcb: {  	v26 =	vmul.f32 v63, v63;
	v50 =	vadd.f32 v50, v23;
	v8 =	vmin.f32 v8, v62  }
0xcc: {  	v8 =	vmin.f32 v8, v25;
	v25 =	vnsel vm15, $0x49742400, v14;
	v23 =	vadd.f32 v51, v13;
	v13 =	vld [tilespmem:$0x1FEB0]  }
0xcd: {  	v56 =	vmul.f32 v33, v59;
	v63 =	vsub.f32 v38, v55;
	v0 =	vmin.f32 v0, v25  }
0xce: {  	v58 =	vadd.f32 v19, v3;
	v59 =	vmul.f32 v27, v26;
	v0 =	vmin.f32 v0, v5  }
0xcf: {  	v62 =	vsel vm15, $0x3F800000, v1;
	v57 =	vadd.f32 v20, v12;
	v0 =	vmin.f32 v0, v6;
	v6 =	vld [tilespmem:$0x1FEA0]  }
0xd0: {  	v12 =	vmul.f32 v63, v63;
	v11 =	vmul.f32 v62, v11;
	v4 =	vmin.f32 v8, v4  }
0xd1: {  	v8 =	vsel vm6, v38, v55;
	v3 =	vadd.f32 v60, v23;
	v20 =	vadd.f32 v62, v13  }
0xd2: {  	v31 =	vld [tilespmem:$0x1FF20];
	v51 =	vmul.f32 v10, v61;
	v23 =	vsel vm3, v24, v7;
	v5 =	vsub.f32 v24, v7  }
0xd3: {  	v24 =	vmul.f32 v45, v12;
	v19 =	vadd.f32 v10, v3;
	v3 =	vadd.f32 v27, v20  }
0xd4: {  	v34 =	vld [tilespmem:$0x1FF10];
	v7 =	vsel vm2, v38, v23;
	v21 =	vmul.f32 v5, v5;
	v20 =	vadd.f32 v11, v6  }
0xd5: {  	s14 =	simm.s32 $0x800;
	v63 =	vmin.f32 v0, v32;
	v13 =	vmin.f32 v4, v53;
	v35 =	vadd.f32 v39, v3  }
.LBB2_6:
0xd6: {  	s15 =	sshra.s32 s14, $0x2;
	v0 =	vsub.f32 v37, v2;
	p1 =	seq.s32 s14, $0x7800;
	s14 =	sadd.s32 $0x800, s14;
	v3 =	vnsel vm1, $0x49742400, v14;
	v4 =	vadd.f32 v59, v20;
	v14 =	vmovc v37  }
0xd7: {  	v5 =	vsub.f32 v37, v8;
	v20 =	vadd.f32 v45, v19;
	s15 =	sadd.s32 s15, s13;
	v3 =	vmin.f32 v31, v3  }
0xd8: {  	v10 =	vadd.f32 v51, v52;
	v19 =	vadd.f32 v36, v35;
	v0 =	vmul.f32 v0, v0;
	v6 =	vld [tilespmem:s15+$0x10]  }
0xd9: {  	v12 =	vmin.f32 v34, v46;
	v21 =	vmul.f32 v39, v21;
	v3 =	vmin.f32 v3, v47;
	v11 =	vld [tilespmem:s15+$0x90]  }
0xda: {  	v23 =	vsub.f32 v38, v23;
	v12 =	vmin.f32 v12, v42;
	v52 =	vadd.f32 v24, v10;
	v25 =	vld [tilespmem:s15+$0x80]  }
0xdb: {  	v26 =	vadd.f32 v56, v58;
	v12 =	vmin.f32 v12, v41;
	v4 =	vadd.f32 v21, v4;
	v10 =	vld [tilespmem:s15+$0x20]  }
0xdc: {  	v3 =	vmin.f32 v3, v43;
	v34 =	vmin.f32 v12, v40;
	v12 =	vmul.f32 v23, v23;
	v27 =	vld [tilespmem:s15+$0xB0]  }
0xdd: {  	v32 =	vsub.f32 v37, v7;
	v21 =	vadd.f32 v29, v57;
	v31 =	vmin.f32 v3, v28;
	v40 =	vld [tilespmem:s15+$0x0]  }
0xde: {  	v23 =	vadd.f32 $1.000000000e+00, v37;
	v28 =	vsel vm0, v38, v44;
	v12 =	vmul.f32 v36, v12;
	v3 =	vld [tilespmem:s15+$0xFFFFFFA0]  }
0xdf: {  	v43 =	vadd.f32 v33, v48;
	v49 =	vadd.f32 v49, v21;
	v29 =	vld [tilespmem:s15+$0xFFFFFFB0]  }
0xe0: {  	vm3 =	vgt.f32 v6, $0.0e+00;
	v6 =	vadd.f32 v30, v50;
	v21 =	vadd.f32 v12, v4;
	v33 =	vld [tilespmem:s15+$0xFFFFFF90]  }
0xe1: {  	v4 =	vmul.f32 v5, v5;
	v39 =	vsel vm3, $0x3F800000, v1;
	vm2 =	vgt.f32 v11, $0.0e+00;
	v5 =	vld [tilespmem:s15+$0xFFFFFF80]  }
0xe2: {  	v24 =	vadd.f32 $1.000000000e+00, v23;
	v11 =	vsub.f32 v37, v28;
	v36 =	vsel vm2, $0x3F800000, v1;
	v12 =	vld [tilespmem:s15+$0xFFFFFF30]  }
0xe3: {  	v51 =	vmul.f32 v32, v32;
	vm0 =	vgt.f32 v25, $0.0e+00;
	vm9 =	vgt.f32 v27, $0.0e+00;
	v30 =	vld [tilespmem:s15+$0xFFFFFF00]  }
0xe4: {  	v38 =	vadd.f32 $1.000000000e+00, v24;
	v35 =	vnsel vm3, $0x49742400, v24;
	v25 =	vld [tilespmem:s15+$0xFFFFFF20];
	vm12 =	vgt.f32 v29, $0.0e+00  }
0xe5: {  	vm4 =	vgt.f32 v33, $0.0e+00;
	v27 =	vsel vm12, $0x3F800000, v1;
	v32 =	vnsel vm12, $0x49742400, v23  }
0xe6: {  	v37 =	vadd.f32 $1.000000000e+00, v38;
	vm7 =	vgt.f32 v10, $0.0e+00;
	vm11 =	vgt.f32 v40, $0.0e+00;
	v10 =	vld [tilespmem:s15+$0xA0]  }
0xe7: {  	v53 =	vsel vm7, $0x3F800000, v1;
	v40 =	vnsel vm0, $0x49742400, v38;
	vm5 =	vgt.f32 v12, $0.0e+00  }
0xe8: {  	v11 =	vmul.f32 v11, v11;
	v41 =	vnsel vm11, $0x49742400, v24;
	vm13 =	vgt.f32 v30, $0.0e+00  }
0xe9: {  	v55 =	vsel vm4, $0x3F800000, v1;
	v12 =	vsel vm13, $0x3F800000, v1;
	v29 =	vsel vm13, v14, v28  }
0xea: {  	v54 =	vnsel vm2, $0x49742400, v38;
	v33 =	vsel vm9, $0x3F800000, v1;
	v11 =	vmul.f32 v12, v11;
	v28 =	vld [tilespmem:s15+$0x30]  }
0xeb: {  	vm8 =	vgt.f32 v3, $0.0e+00;
	vm10 =	vgt.f32 v5, $0.0e+00;
	vm6 =	vgt.f32 v10, $0.0e+00  }
0xec: {  	v42 =	vnsel vm10, $0x49742400, v23;
	v3 =	vsel vm5, $0x3F800000, v1;
	v2 =	vsel vm5, v14, v2  }
0xed: {  	v5 =	vnsel vm4, $0x49742400, v23;
	vm1 =	vgt.f32 v25, $0.0e+00;
	v10 =	vsub.f32 v23, v2  }
0xee: {  	v60 =	vnsel vm9, $0x49742400, v38;
	v25 =	vadd.f32 v3, v43;
	v45 =	vsel vm6, $0x3F800000, v1  }
0xef: {  	v43 =	vnsel vm7, $0x49742400, v24;
	v2 =	vsel vm12, v23, v2;
	vm12 =	vgt.f32 v28, $0.0e+00  }
0xf0: {  	v50 =	vsub.f32 v24, v2;
	v10 =	vmul.f32 v10, v10;
	v28 =	vnsel vm6, $0x49742400, v38  }
0xf1: {  	v46 =	vnsel vm13, $0x49742400, v14;
	v0 =	vmul.f32 v3, v0;
	v3 =	vnsel vm12, $0x49742400, v24  }
0xf2: {  	v30 =	vsel vm10, v23, v29;
	v10 =	vmul.f32 v27, v10;
	v48 =	vsel vm12, v24, v2  }
0xf3: {  	v8 =	vsel vm1, v14, v8;
	v25 =	vadd.f32 v27, v25;
	v44 =	vsel vm11, v24, v30  }
0xf4: {  	v56 =	vsel vm11, $0x3F800000, v1;
	v27 =	vsub.f32 v23, v8;
	v2 =	vsel vm9, v38, v48  }
0xf5: {  	v47 =	vnsel vm8, $0x49742400, v23;
	v57 =	vsel vm1, $0x3F800000, v1;
	v8 =	vsel vm8, v23, v8  }
0xf6: {  	v0 =	vadd.f32 v0, v26;
	v26 =	vmul.f32 v27, v27;
	v27 =	vsub.f32 v24, v30  }
0xf7: {  	v6 =	vadd.f32 v12, v6;
	v11 =	vadd.f32 v11, v49;
	v12 =	vsel vm12, $0x3F800000, v1  }
0xf8: {  	v4 =	vmul.f32 v57, v4;
	v0 =	vadd.f32 v10, v0;
	v10 =	vmul.f32 v27, v27  }
0xf9: {  	v49 =	vsub.f32 v24, v8;
	v30 =	vsel vm0, $0x3F800000, v1;
	v27 =	vsub.f32 v23, v29  }
0xfa: {  	v59 =	vsel vm7, v24, v8;
	v8 =	vsub.f32 v38, v44;
	v61 =	vsub.f32 v38, v48;
	v58 =	vld [tilespmem:s15+$0xFFFFFF10]  }
0xfb: {  	v48 =	vadd.f32 v12, v25;
	v29 =	vmul.f32 v56, v10;
	v10 =	vmul.f32 v50, v50  }
0xfc: {  	v25 =	vsel vm10, $0x3F800000, v1;
	v8 =	vmul.f32 v8, v8;
	v61 =	vmul.f32 v61, v61  }
0xfd: {  	v4 =	vadd.f32 v4, v52;
	v52 =	vsel vm8, $0x3F800000, v1;
	v62 =	vmul.f32 v49, v49  }
0xfe: {  	v49 =	vmul.f32 v30, v8;
	v50 =	vnsel vm5, $0x49742400, v14;
	v10 =	vmul.f32 v12, v10  }
0xff: {  	v6 =	vadd.f32 v25, v6;
	v8 =	vmin.f32 v13, v50;
	vm5 =	vgt.f32 v58, $0.0e+00  }
0x100: {  	v12 =	vmul.f32 v27, v27;
	v8 =	vmin.f32 v8, v32;
	v7 =	vsel vm5, v14, v7  }
0x101: {  	v3 =	vmin.f32 v8, v3;
	v8 =	vsel vm6, v38, v59;
	v27 =	vnsel vm5, $0x49742400, v14  }
0x102: {  	v50 =	vadd.f32 v56, v6;
	v56 =	vmul.f32 v33, v61;
	v32 =	vsub.f32 v23, v7  }
0x103: {  	v12 =	vmul.f32 v25, v12;
	v25 =	vmul.f32 v52, v26;
	v6 =	vsel vm5, $0x3F800000, v1  }
0x104: {  	v20 =	vadd.f32 v57, v20;
	v26 =	vmul.f32 v32, v32;
	v32 =	vsub.f32 v38, v59  }
0x105: {  	v57 =	vadd.f32 v12, v11;
	v58 =	vadd.f32 v10, v0;
	v7 =	vsel vm4, v23, v7  }
0x106: {  	v0 =	vadd.f32 v52, v20;
	v52 =	vadd.f32 v25, v4;
	v59 =	vmul.f32 v55, v26  }
0x107: {  	v4 =	vmin.f32 v63, v27;
	v23 =	vsel vm3, v24, v7;
	v10 =	vmul.f32 v32, v32  }
.Ltmp1:
0x108: {  	v11 =	vadd.f32 v6, v19;
	v6 =	vmul.f32 v6, v51;
	v4 =	vmin.f32 v4, v5;
	(pc) =	sbr.rel @!p1 .LBB2_6-.Ltmp1, $4  }
0x109: {  	v19 =	vadd.f32 v53, v0;
	v5 =	vsub.f32 v24, v7;
	v24 =	vmul.f32 v45, v10  }
0x10a: {  	v0 =	vadd.f32 v55, v11;
	v4 =	vmin.f32 v4, v35;
	v7 =	vsel vm2, v38, v23  }
0x10b: {  	v20 =	vadd.f32 v6, v21;
	v21 =	vmul.f32 v5, v5;
	v63 =	vmin.f32 v4, v54  }
0x10c: {  	v13 =	vmin.f32 v3, v60;
	v51 =	vmul.f32 v53, v62;
	v35 =	vadd.f32 v39, v0  }
0x10d: {  	v0 =	vnsel vm1, $0x49742400, v14;
	v3 =	vadd.f32 v59, v20  }
0x10e: {  	v12 =	vadd.f32 v45, v19;
	v5 =	vmin.f32 v34, v46;
	v10 =	vsub.f32 v38, v23  }
0x10f: {  	v6 =	vmul.f32 v39, v21;
	v21 =	vadd.f32 v56, v58;
	v4 =	vadd.f32 v51, v52  }
0x110: {  	v23 =	vadd.f32 v33, v48;
	v26 =	vsel vm0, v38, v44;
	v25 =	vadd.f32 v30, v50  }
0x111: {  	v0 =	vmin.f32 v31, v0;
	v20 =	vadd.f32 v24, v4;
	v4 =	vmul.f32 v10, v10  }
0x112: {  	v5 =	vmin.f32 v5, v42;
	v0 =	vmin.f32 v0, v47;
	v3 =	vadd.f32 v6, v3  }
0x113: {  	v5 =	vmin.f32 v5, v41;
	v6 =	vadd.f32 v29, v57;
	v4 =	vmul.f32 v36, v4  }
0x114: {  	v14 =	vadd.f32 v36, v35;
	v0 =	vmin.f32 v0, v43;
	v10 =	vmin.f32 v5, v40  }
0x115: {  	v5 =	vmin.f32 v0, v28;
	v24 =	vadd.f32 v49, v6;
	v19 =	vadd.f32 v4, v3  }
0x116: {  	v4 =	vld [tilespmem:$0x1FF50]  }
0x117: {  	p1 =	seq.s32 s12, $0x8;
	v6 =	vld [tilespmem:$0x1FF60]  }
.Ltmp2:
0x118: {  	v11 =	vld [tilespmem:$0x1FF70];
	(pc) =	sbr.rel @!p1 .LBB2_3-.Ltmp2, $4  }
0x119: {  	v3 =	vld [tilespmem:$0x1FF80]  }
0x11a: {  	v31 =	vld [tilespmem:$0x1FF90]  }
0x11b: {  	v35 =	vld [tilespmem:$0x1FFA0]  }
0x11c: {  	p0 =	por !p0, !p0;
	v27 =	vld [tilespmem:$0x1FFB0]  }
0x11d: {  	v0 =	vadd.f32 $1.000000000e+00, v16  }
0x11e: {  	v60 =	vld [tilespmem:$0x1FFE0]  }
0x11f: {  	v61 =	vld [tilespmem:$0x1FFD0];
	v0 =	vmul.f32 v0, v0  }
0x120: {  	vm0 =	vgt.f32 v18, $0.0e+00;
	[tilespmem:$0x4000] =	vst v18;
	v59 =	vmov v3;
	v3 =	vadd.f32 $1.000000000e+00, v3  }
0x121: {  	[tilespmem:$0x4080] =	vst v16;
	v0 =	vnsel vm0, $0x0, v0  }
0x122: {  	[tilespmem:$0x4100] =	vst v15;
	v3 =	vmul.f32 v3, v3;
	v0 =	vsub.f32 v35, v0  }
0x123: {  	[tilespmem:$0x4110] =	vst v22;
	vm9 =	vgt.f32 v60, $0.0e+00  }
0x124: {  	[tilespmem:$0x4180] =	vst v0;
	v0 =	vnsel vm9, $0x0, v3;
	v3 =	vadd.f32 $1.000000000e+00, v61  }
0x125: {  	[tilespmem:$0x4120] =	vst v9  }
0x126: {  	[tilespmem:$0x40B0] =	vst v11;
	v0 =	vsub.f32 v4, v0;
	v3 =	vmul.f32 v3, v3  }
0x127: {  	[tilespmem:$0x4130] =	vst v17;
	vm10 =	vgt.f32 v31, $0.0e+00  }
0x128: {  	[tilespmem:$0x4190] =	vst v0;
	v0 =	vnsel vm10, $0x0, v3;
	v3 =	vadd.f32 $1.000000000e+00, v11  }
0x129: {  	v62 =	vld [tilespmem:$0x1FFC0];
	[tilespmem:$0x4040] =	vst v25  }
0x12a: {  	[tilespmem:$0x40C0] =	vst v10;
	v0 =	vsub.f32 v6, v0;
	v3 =	vmul.f32 v3, v3  }
0x12b: {  	[tilespmem:$0x4140] =	vst v26;
	vm11 =	vgt.f32 v27, $0.0e+00  }
0x12c: {  	[tilespmem:$0x41A0] =	vst v0;
	v0 =	vnsel vm11, $0x0, v3;
	v3 =	vadd.f32 $1.000000000e+00, v10  }
0x12d: {  	[tilespmem:$0x4050] =	vst v14  }
0x12e: {  	[tilespmem:$0x40D0] =	vst v63;
	v0 =	vsub.f32 v62, v0;
	v3 =	vmul.f32 v3, v3  }
0x12f: {  	vm12 =	vgt.f32 v25, $0.0e+00;
	[tilespmem:$0x4150] =	vst v7  }
0x130: {  	[tilespmem:$0x41B0] =	vst v0;
	v0 =	vnsel vm12, $0x0, v3;
	v3 =	vadd.f32 $1.000000000e+00, v63  }
0x131: {  	[tilespmem:$0x4060] =	vst v12  }
0x132: {  	[tilespmem:$0x40E0] =	vst v5;
	v0 =	vsub.f32 v24, v0;
	v3 =	vmul.f32 v3, v3  }
0x133: {  	vm13 =	vgt.f32 v14, $0.0e+00;
	[tilespmem:$0x4160] =	vst v8  }
0x134: {  	[tilespmem:$0x41C0] =	vst v0;
	v0 =	vnsel vm13, $0x0, v3;
	v3 =	vadd.f32 $1.000000000e+00, v5  }
0x135: {  	[tilespmem:$0x4070] =	vst v23  }
0x136: {  	[tilespmem:$0x40F0] =	vst v13;
	v0 =	vsub.f32 v19, v0;
	v3 =	vmul.f32 v3, v3  }
0x137: {  	vm14 =	vgt.f32 v12, $0.0e+00;
	[tilespmem:$0x4170] =	vst v2  }
0x138: {  	[tilespmem:$0x41D0] =	vst v0;
	v0 =	vnsel vm14, $0x0, v3;
	v3 =	vadd.f32 $1.000000000e+00, v13  }
0x139: {  	[tilespmem:$0x4090] =	vst v59  }
0x13a: {  	[tilespmem:$0x4020] =	vst v31;
	v0 =	vsub.f32 v20, v0;
	v3 =	vmul.f32 v3, v3  }
0x13b: {  	vm15 =	vgt.f32 v23, $0.0e+00;
	[tilespmem:$0x4030] =	vst v27  }
0x13c: {  	[tilespmem:$0x41E0] =	vst v0;
	v0 =	vnsel vm15, $0x0, v3  }
0x13d: {  	s11 =	sadd.s32 $0x1, s11;
	[tilespmem:$0x4010] =	vst v60;
	v0 =	vsub.f32 v21, v0  }
0x13e: {  	p0 =	sne.s32 s11, s7;
	[tilespmem:$0x40A0] =	vst v61  }
.Ltmp3:
0x13f: {  	[tilespmem:$0x41F0] =	vst v0;
	(pc) =	sbr.rel @p0 .LBB2_1-.Ltmp3, $4  }
0x140: {  	[hbm4b:s6+s3] =	stream.linear.scatter [tilespmem:s9], [sflag:$0x2], $0x200, $0x38;
	[tilespmem:$0x4200] =	vst v63  }
0x141: {  	_ =	swait.ge [sflag:s10], $0x200  }
0x142: {  	[sflag:s10] =	ssyncset.done $0x0  }
0x143: {  	[sflag:s10] =	ssyncadd.s32 $0xFFFFFE00  }
0x144: {  	_ =	sfence.sel $0x180000  }
0x145: {  	[bflag:$0x0] =	sbarrier.arrive $0xFFFF  }
0x146: {  	p0 =	sne.s32 s1, $0x0;
	_ =	strace $0x90000047  }
0x147: {  	s0 =	sadd.s32 @!p0 $0x100000, s0;
	[bflag:$0x2] =	sbarrier.arrive $0xFFFF  }
0x148: {  	[sflag:s0] =	ssyncadd.tile.s32 @!p0 $0x1;
	_ =	shalt  }
.Lfunc_end2:
_tile_overlayer_lowered:
.L_overlay_start_2:
0x149: {  	(tag) =	ssettag $0x2  }
0x14a: {  	s0 =	rddreg [dreg:$0x0];
	s2 =	stileid.u32  }
0x14b: {  	s1 =	rddreg [dreg:$0x1];
	p0 =	sne.s32 s2, $0x0  }
0x14c: {  	s3 =	rddreg [dreg:$0x2];
	[bflag:$0x3] =	sbarrier.arrive $0xFFFF;
	s2 =	simm.s32 @!p0 $0x1C02  }
0x14d: {  	[timem:s3], [sflag:s2] =	dma.local @!p0 [hbm:s0], s1  }
0x14e: {  	s0 =	simm.s32 @!p0 $0x2  }
0x14f: {  	_ =	swait.ge @!p0 [sflag:s0], s1  }
0x150: {  	s1 =	ssub.s32 @!p0 $0x0, s1;
	[sflag:s0] =	ssyncset.done @!p0 $0x0  }
0x151: {  	[sflag:s0] =	ssyncadd.s32 @!p0 s1  }
0x152: {  	[bflag:$0x3] =	sbarrier.arrive $0xFFFF  }
0x153: {  	_ =	shalt  }

</sc_bundles>
